<compile_context>
chip_gen: v7x
topology: tpu7x:2x2x1
jax: 0.10.2.dev20260603
libtpu: 0.0.44.dev20260713+nightly
codegen_flags: <defaults>
</compile_context>

<pallas_src>
import functools

import jax

_INTERPRET = False
import jax.numpy as jnp
from jax import lax
from jax.experimental import pallas as pl
from jax.experimental.pallas import tpu as pltpu
from jax.experimental.pallas import tpu_sc as plsc

_NC = 2
_NS = 16
_K = 80
_WB = 80


def _sc_mesh():
  return plsc.VectorSubcoreMesh(
      core_axis_name="c", subcore_axis_name="s", num_cores=_NC,
      num_subcores=_NS)


def _zero_stage(stage, nrows, ncols):
  zero16 = jnp.zeros((16,), jnp.float32)

  def zrow(i, _):
    for j in range(ncols // 16):
      stage[i, pl.ds(j * 16, 16)] = zero16
    return 0
  lax.fori_loop(0, nrows, zrow, 0)


def _each_wb_chunk(s, n_chunks, fn, wb=_WB):
  for k in range((n_chunks + _NS - 1) // _NS):
    ci = k * _NS + s

    @pl.when(ci < n_chunks)
    def _():
      fn(pl.multiple_of(ci * wb, 8))


@jax.jit
def _sc_segsum(h, src, dst):
  N, D = h.shape
  E = src.shape[0]
  NW = _NC * _NS
  epw = E // NW
  n_chunks = epw // _K
  n_wb = N // _WB

  assert n_chunks % 4 == 1 and n_chunks >= 5
  out_type = jax.ShapeDtypeStruct((_NC, N, D), jnp.float32)
  scratch = [
      pltpu.VMEM((4, _K), jnp.int32),
      pltpu.VMEM((4, _K), jnp.int32),
      pltpu.VMEM((2, _K, D), jnp.float32),
      pltpu.VMEM((_WB, D), jnp.float32),
      pltpu.VMEM_SHARED((N, D), jnp.float32),
      pltpu.SemaphoreType.DMA,
      pltpu.SemaphoreType.DMA,
      pltpu.SemaphoreType.DMA,
      pltpu.SemaphoreType.DMA,
      pltpu.SemaphoreType.DMA,
      pltpu.SemaphoreType.DMA,
      pltpu.SemaphoreType.DMA,
      pltpu.SemaphoreType.DMA,
  ]

  def body(h_hbm, src_hbm, dst_hbm, sum_hbm,
           idx_s, idx_d, rows, stage, accum,
           gsem0, gsem1, csem0, csem1, isem0, isem1, isem2, isem3):
    c = lax.axis_index("c")
    s = lax.axis_index("s")
    wid = c * _NS + s
    gsem = (gsem0, gsem1)
    csem = (csem0, csem1)
    isem = (isem0, isem1, isem2, isem3)

    def issue_idx(sl, g):
      base = pl.multiple_of(wid * epw + g * _K, 8)
      pltpu.async_copy(src_hbm.at[pl.ds(base, _K)], idx_s.at[sl], isem[sl])
      pltpu.async_copy(dst_hbm.at[pl.ds(base, _K)], idx_d.at[sl], isem[sl])

    def wait_idx(sl):
      pltpu.make_async_copy(
          src_hbm.at[pl.ds(0, _K)], idx_s.at[sl], isem[sl]).wait()
      pltpu.make_async_copy(
          dst_hbm.at[pl.ds(0, _K)], idx_d.at[sl], isem[sl]).wait()

    def issue_gather(b, sl):
      pltpu.async_copy(h_hbm.at[idx_s.at[sl]], rows.at[b], gsem[b])

    def wait_gather(b):
      pltpu.make_async_copy(
          h_hbm.at[pl.ds(0, _K)], rows.at[b], gsem[b]).wait()

    def issue_scatter(b, sl):
      pltpu.async_copy(rows.at[b], accum.at[idx_d.at[sl]], csem[b], add=True)

    def wait_scatter(b):
      pltpu.make_async_copy(
          rows.at[b], accum.at[pl.ds(0, _K)], csem[b]).wait()

    _zero_stage(stage, _WB, D)

    def zchunk(r0):
      pltpu.sync_copy(stage, accum.at[pl.ds(r0, _WB)])
    _each_wb_chunk(s, n_wb, zchunk)
    plsc.subcore_barrier()

    issue_idx(0, 0)
    issue_idx(1, 1)
    issue_idx(2, 2)
    wait_idx(0)
    issue_gather(0, 0)

    def substep(u, g, first, last3, last1):
      b = u % 2
      sl = u % 4
      wait_gather(b)
      if not first:
        @pl.when(g >= 1)
        def _():
          wait_scatter(1 - b)
      if not last3:
        @pl.when(g + 3 < n_chunks)
        def _():
          issue_idx((u + 3) % 4, g + 3)
      if not last1:
        @pl.when(g + 1 < n_chunks)
        def _():
          wait_idx((u + 1) % 4)
          issue_gather(1 - b, (u + 1) % 4)
      issue_scatter(b, sl)

    def quad(i, _):
      g4 = 4 * i
      substep(0, g4 + 0, False, False, False)
      substep(1, g4 + 1, False, False, False)
      substep(2, g4 + 2, False, False, False)
      substep(3, g4 + 3, False, False, False)
      return 0
    lax.fori_loop(0, n_chunks // 4, quad, 0)
    substep(0, n_chunks - 1, False, True, True)
    wait_scatter(0)
    plsc.subcore_barrier()

    def wchunk(r0):
      pltpu.sync_copy(accum.at[pl.ds(r0, _WB)], stage)
      pltpu.sync_copy(stage, sum_hbm.at[c, pl.ds(r0, _WB)])
    _each_wb_chunk(s, n_wb, wchunk)

  fn = pl.kernel(body, out_type=out_type, mesh=_sc_mesh(),
                 scratch_types=scratch, interpret=_INTERPRET)
  return fn(h, src, dst)


@functools.partial(jax.jit, static_argnames=("n_nodes", "d"))
def _sc_degree(dst, n_nodes, d):
  N, D = n_nodes, d
  E = dst.shape[0]
  NW = _NC * _NS
  epw = E // NW
  n_chunks = epw // _K
  n_wb = N // _WB

  assert n_chunks % 2 == 1 and n_chunks >= 3
  out_type = jax.ShapeDtypeStruct((_NC, N, D), jnp.float32)
  scratch = [
      pltpu.VMEM((2, _K), jnp.int32),
      pltpu.VMEM((_K, D), jnp.float32),
      pltpu.VMEM((_WB, D), jnp.float32),
      pltpu.VMEM_SHARED((N, D), jnp.float32),
      pltpu.SemaphoreType.DMA,
      pltpu.SemaphoreType.DMA,
      pltpu.SemaphoreType.DMA,
      pltpu.SemaphoreType.DMA,
  ]

  def body(dst_hbm, deg_hbm, idx_d, ones, stage, dacc,
           csem0, csem1, dsem0, dsem1):
    c = lax.axis_index("c")
    s = lax.axis_index("s")
    wid = c * _NS + s
    csem = (csem0, csem1)
    dsem = (dsem0, dsem1)

    def issue_idx(b, g):
      base = pl.multiple_of(wid * epw + g * _K, 8)
      pltpu.async_copy(dst_hbm.at[pl.ds(base, _K)], idx_d.at[b], dsem[b])

    def wait_idx(b):
      pltpu.make_async_copy(
          dst_hbm.at[pl.ds(0, _K)], idx_d.at[b], dsem[b]).wait()

    def issue_scatter(b):
      pltpu.async_copy(ones, dacc.at[idx_d.at[b]], csem[b], add=True)

    def wait_scatter(b):
      pltpu.make_async_copy(ones, dacc.at[pl.ds(0, _K)], csem[b]).wait()

    _zero_stage(stage, _WB, D)
    one16 = jnp.ones((16,), jnp.float32)

    def orow(i, _):
      for j in range(D // 16):
        ones[i, pl.ds(j * 16, 16)] = one16
      return 0
    lax.fori_loop(0, _K, orow, 0)

    def zchunk(r0):
      pltpu.sync_copy(stage, dacc.at[pl.ds(r0, _WB)])
    _each_wb_chunk(s, n_wb, zchunk)
    plsc.subcore_barrier()

    issue_idx(0, 0)
    wait_idx(0)
    issue_scatter(0)
    issue_idx(1, 1)

    def pair(i, _):
      g = 2 * i + 1
      wait_idx(1)
      issue_scatter(1)
      wait_scatter(0)

      @pl.when(g + 1 < n_chunks)
      def _():
        issue_idx(0, g + 1)
        wait_idx(0)
        issue_scatter(0)
      wait_scatter(1)

      @pl.when(g + 2 < n_chunks)
      def _():
        issue_idx(1, g + 2)
      return 0
    lax.fori_loop(0, n_chunks // 2, pair, 0)
    wait_scatter(0)
    plsc.subcore_barrier()

    def wchunk(r0):
      pltpu.sync_copy(dacc.at[pl.ds(r0, _WB)], stage)
      pltpu.sync_copy(stage, deg_hbm.at[c, pl.ds(r0, _WB)])
    _each_wb_chunk(s, n_wb, wchunk)

  fn = pl.kernel(body, out_type=out_type, mesh=_sc_mesh(),
                 scratch_types=scratch, interpret=_INTERPRET)
  return fn(dst)


@jax.jit
def _sc_edge_messages(p, q, r, src, dst):
  N, D = p.shape
  E = src.shape[0]
  NW = _NC * _NS
  epw = E // NW
  _K = 40
  n_chunks = epw // _K
  n_wb = N // _WB

  assert n_chunks % 2 == 0 and n_chunks >= 4
  _WBE = 40
  n_wb = N // _WBE
  out_type = jax.ShapeDtypeStruct((_NC, N, D), jnp.float32)
  scratch = [
      pltpu.VMEM((2, _K), jnp.int32),
      pltpu.VMEM((2, _K), jnp.int32),
      pltpu.VMEM((2, _K), jnp.int32),
      pltpu.VMEM((2, _K), jnp.int32),
      pltpu.VMEM((2, _K, D), jnp.float32),
      pltpu.VMEM((2, _K, D), jnp.float32),
      pltpu.VMEM((2, _K, D), jnp.float32),
      pltpu.VMEM((2, _K, D), jnp.float32),
      pltpu.VMEM((_WBE, D), jnp.float32),
      pltpu.VMEM_SHARED((N, D), jnp.float32),
      pltpu.SemaphoreType.DMA,
      pltpu.SemaphoreType.DMA,
      pltpu.SemaphoreType.DMA,
      pltpu.SemaphoreType.DMA,
      pltpu.SemaphoreType.DMA,
      pltpu.SemaphoreType.DMA,
      pltpu.SemaphoreType.DMA,
      pltpu.SemaphoreType.DMA,
      pltpu.SemaphoreType.DMA,
      pltpu.SemaphoreType.DMA,
      pltpu.SemaphoreType.DMA,
      pltpu.SemaphoreType.DMA,
  ]

  def body(p_hbm, q_hbm, r_hbm, src_hbm, dst_hbm, out_hbm,
           idx_s, idx_d, six_s, six_d, a, b, rr, m, stage, accum,
           pa0, pa1, qb0, qb1, rr0, rr1, ig0, ig1, is0, is1, sc0, sc1):
    c = lax.axis_index("c")
    s = lax.axis_index("s")
    wid = c * _NS + s
    psem = (pa0, pa1)
    qsem = (qb0, qb1)
    rsem = (rr0, rr1)
    gisem = (ig0, ig1)
    sisem = (is0, is1)
    scsem = (sc0, sc1)

    def issue_gidx(bb, g):
      base = pl.multiple_of(wid * epw + g * _K, 8)
      pltpu.async_copy(src_hbm.at[pl.ds(base, _K)], idx_s.at[bb], gisem[bb])
      pltpu.async_copy(dst_hbm.at[pl.ds(base, _K)], idx_d.at[bb], gisem[bb])

    def wait_gidx(bb):
      pltpu.make_async_copy(
          src_hbm.at[pl.ds(0, _K)], idx_s.at[bb], gisem[bb]).wait()
      pltpu.make_async_copy(
          dst_hbm.at[pl.ds(0, _K)], idx_d.at[bb], gisem[bb]).wait()

    def issue_sidx(bb, g):
      base = pl.multiple_of(wid * epw + g * _K, 8)
      pltpu.async_copy(src_hbm.at[pl.ds(base, _K)], six_s.at[bb], sisem[bb])
      pltpu.async_copy(dst_hbm.at[pl.ds(base, _K)], six_d.at[bb], sisem[bb])

    def wait_sidx(bb):
      pltpu.make_async_copy(
          src_hbm.at[pl.ds(0, _K)], six_s.at[bb], sisem[bb]).wait()
      pltpu.make_async_copy(
          dst_hbm.at[pl.ds(0, _K)], six_d.at[bb], sisem[bb]).wait()

    def issue_gathers(bb, g):
      base = pl.multiple_of(wid * epw + g * _K, 8)
      pltpu.async_copy(p_hbm.at[idx_s.at[bb]], a.at[bb], psem[bb])
      pltpu.async_copy(q_hbm.at[idx_d.at[bb]], b.at[bb], qsem[bb])
      pltpu.async_copy(r_hbm.at[pl.ds(base, _K)], rr.at[bb], rsem[bb])

    def wait_gathers(bb):
      pltpu.make_async_copy(p_hbm.at[pl.ds(0, _K)], a.at[bb], psem[bb]).wait()
      pltpu.make_async_copy(q_hbm.at[pl.ds(0, _K)], b.at[bb], qsem[bb]).wait()
      pltpu.make_async_copy(r_hbm.at[pl.ds(0, _K)], rr.at[bb], rsem[bb]).wait()

    def compute(bb):
      def erow(e, _):
        for j in range(D // 16):
          sl = pl.ds(j * 16, 16)
          v = a[bb, e, sl] + b[bb, e, sl] + rr[bb, e, sl]
          m[bb, e, sl] = jnp.maximum(v, 0.0)
        return 0
      lax.fori_loop(0, _K, erow, 0)

    def issue_scatters(bb):
      pltpu.async_copy(m.at[bb], accum.at[six_s.at[bb]], scsem[bb], add=True)
      pltpu.async_copy(m.at[bb], accum.at[six_d.at[bb]], scsem[bb], add=True)

    def wait_scatters(bb):
      pltpu.make_async_copy(m.at[bb], accum.at[pl.ds(0, _K)], scsem[bb]).wait()
      pltpu.make_async_copy(m.at[bb], accum.at[pl.ds(0, _K)], scsem[bb]).wait()

    _zero_stage(stage, _WBE, D)

    def zchunk(r0):
      pltpu.sync_copy(stage, accum.at[pl.ds(r0, _WBE)])
    _each_wb_chunk(s, n_wb, zchunk, wb=_WBE)
    plsc.subcore_barrier()

    issue_gidx(0, 0)
    wait_gidx(0)
    issue_gathers(0, 0)
    issue_gidx(1, 1)

    def substep(i, bb, g):
      wait_gathers(bb)
      wait_gidx(1 - bb)
      issue_gathers(1 - bb, g + 1)

      @pl.when(i > 0)
      def _():
        wait_scatters(bb)
      issue_sidx(bb, g)
      compute(bb)
      wait_sidx(bb)
      issue_scatters(bb)

      @pl.when(g + 2 < n_chunks)
      def _():
        issue_gidx(bb, g + 2)

    def pair(i, _):
      g = 2 * i
      substep(i, 0, g)
      wait_gathers(1)

      @pl.when(g + 2 < n_chunks)
      def _():
        wait_gidx(0)
        issue_gathers(0, g + 2)

      @pl.when(i > 0)
      def _():
        wait_scatters(1)
      issue_sidx(1, g + 1)
      compute(1)
      wait_sidx(1)
      issue_scatters(1)

      @pl.when(g + 3 < n_chunks)
      def _():
        issue_gidx(1, g + 3)
      return 0
    lax.fori_loop(0, n_chunks // 2, pair, 0)
    wait_scatters(0)
    wait_scatters(1)
    plsc.subcore_barrier()

    def wchunk(r0):
      pltpu.sync_copy(accum.at[pl.ds(r0, _WBE)], stage)
      pltpu.sync_copy(stage, out_hbm.at[c, pl.ds(r0, _WBE)])
    _each_wb_chunk(s, n_wb, wchunk, wb=_WBE)

  fn = pl.kernel(body, out_type=out_type, mesh=_sc_mesh(),
                 scratch_types=scratch, interpret=_INTERPRET)
  return fn(p, q, r, src, dst)


_BN = 400


def _conv_dense(h, s0, s1, d0, d1, wr, wn):
  N, D = h.shape

  def body(h_ref, s0_ref, s1_ref, d0_ref, d1_ref, wr_ref, wn_ref, o_ref):
    deg = d0_ref[:, 0:1] + d1_ref[:, 0:1]
    mean = (s0_ref[...] + s1_ref[...]) / jnp.maximum(deg, 1.0)
    acc = jnp.dot(h_ref[...], wr_ref[...], preferred_element_type=jnp.float32)
    acc += jnp.dot(mean, wn_ref[...], preferred_element_type=jnp.float32)
    o_ref[...] = jnp.maximum(acc, 0.0)

  return pl.pallas_call(
      body,
      grid=(N // _BN,),
      in_specs=[
          pl.BlockSpec((_BN, D), lambda i: (i, 0)),
          pl.BlockSpec((_BN, D), lambda i: (i, 0)),
          pl.BlockSpec((_BN, D), lambda i: (i, 0)),
          pl.BlockSpec((_BN, D), lambda i: (i, 0)),
          pl.BlockSpec((_BN, D), lambda i: (i, 0)),
          pl.BlockSpec((D, D), lambda i: (0, 0)),
          pl.BlockSpec((D, D), lambda i: (0, 0)),
      ],
      out_specs=pl.BlockSpec((_BN, D), lambda i: (i, 0)),
      out_shape=jax.ShapeDtypeStruct((N, D), jnp.float32),
  )(h, s0, s1, d0, d1, wr, wn)


def _conv_dense_pq(h, s0, s1, d0, d1, wr, wn, ws, wd):
  N, D = h.shape

  def body(h_ref, s0_ref, s1_ref, d0_ref, d1_ref, wr_ref, wn_ref,
           ws_ref, wd_ref, o_ref, p_ref, q_ref):
    deg = d0_ref[:, 0:1] + d1_ref[:, 0:1]
    mean = (s0_ref[...] + s1_ref[...]) / jnp.maximum(deg, 1.0)
    acc = jnp.dot(h_ref[...], wr_ref[...], preferred_element_type=jnp.float32)
    acc += jnp.dot(mean, wn_ref[...], preferred_element_type=jnp.float32)
    h2 = jnp.maximum(acc, 0.0)
    o_ref[...] = h2
    p_ref[...] = jnp.dot(h2, ws_ref[...], preferred_element_type=jnp.float32)
    q_ref[...] = jnp.dot(h2, wd_ref[...], preferred_element_type=jnp.float32)

  return pl.pallas_call(
      body,
      grid=(N // _BN,),
      in_specs=[
          pl.BlockSpec((_BN, D), lambda i: (i, 0)),
          pl.BlockSpec((_BN, D), lambda i: (i, 0)),
          pl.BlockSpec((_BN, D), lambda i: (i, 0)),
          pl.BlockSpec((_BN, D), lambda i: (i, 0)),
          pl.BlockSpec((_BN, D), lambda i: (i, 0)),
          pl.BlockSpec((D, D), lambda i: (0, 0)),
          pl.BlockSpec((D, D), lambda i: (0, 0)),
          pl.BlockSpec((D, D), lambda i: (0, 0)),
          pl.BlockSpec((D, D), lambda i: (0, 0)),
      ],
      out_specs=[
          pl.BlockSpec((_BN, D), lambda i: (i, 0)),
          pl.BlockSpec((_BN, D), lambda i: (i, 0)),
          pl.BlockSpec((_BN, D), lambda i: (i, 0)),
      ],
      out_shape=[
          jax.ShapeDtypeStruct((N, D), jnp.float32),
          jax.ShapeDtypeStruct((N, D), jnp.float32),
          jax.ShapeDtypeStruct((N, D), jnp.float32),
      ],
  )(h, s0, s1, d0, d1, wr, wn, ws, wd)


_BE = 2000


def _r_dense(edge_attr, wa, be):
  E, DE = edge_attr.shape
  D = wa.shape[1]

  def body(e_ref, wa_ref, b_ref, o_ref):
    o_ref[...] = jnp.dot(e_ref[...], wa_ref[...],
                         preferred_element_type=jnp.float32) + b_ref[...]

  return pl.pallas_call(
      body,
      grid=(E // _BE,),
      in_specs=[
          pl.BlockSpec((_BE, DE), lambda i: (i, 0)),
          pl.BlockSpec((DE, D), lambda i: (0, 0)),
          pl.BlockSpec((1, D), lambda i: (0, 0)),
      ],
      out_specs=pl.BlockSpec((_BE, D), lambda i: (i, 0)),
      out_shape=jax.ShapeDtypeStruct((E, D), jnp.float32),
  )(edge_attr, wa, be.reshape(1, D))


def _final_dense(h, m0, m1, wc, bc):
  N, D = h.shape
  C = wc.shape[1]

  def body(h_ref, m0_ref, m1_ref, wc_ref, bc_ref, o_ref):
    hv = h_ref[...] + m0_ref[...] + m1_ref[...]
    o_ref[...] = jnp.dot(hv, wc_ref[...],
                         preferred_element_type=jnp.float32) + bc_ref[...]

  return pl.pallas_call(
      body,
      grid=(N // _BN,),
      in_specs=[
          pl.BlockSpec((_BN, D), lambda i: (i, 0)),
          pl.BlockSpec((_BN, D), lambda i: (i, 0)),
          pl.BlockSpec((_BN, D), lambda i: (i, 0)),
          pl.BlockSpec((D, C), lambda i: (0, 0)),
          pl.BlockSpec((1, C), lambda i: (0, 0)),
      ],
      out_specs=pl.BlockSpec((_BN, C), lambda i: (i, 0)),
      out_shape=jax.ShapeDtypeStruct((N, C), jnp.float32),
  )(h, m0, m1, wc, bc.reshape(1, C))


@jax.jit
def kernel(x, edge_index, edge_attr, W_root1, W_neigh1, W_root2, W_neigh2,
           W_edge, b_edge, W_cls, b_cls):
  N, D = x.shape
  src = edge_index[0]
  dst = edge_index[1]

  d_parts = _sc_degree(dst, N, D)
  d0, d1 = d_parts[0], d_parts[1]

  s_parts = _sc_segsum(x, src, dst)
  h1 = _conv_dense(x, s_parts[0], s_parts[1], d0, d1, W_root1, W_neigh1)

  s_parts2 = _sc_segsum(h1, src, dst)
  h2, p, q = _conv_dense_pq(h1, s_parts2[0], s_parts2[1], d0, d1,
                            W_root2, W_neigh2, W_edge[:D], W_edge[D:2 * D])

  r = _r_dense(edge_attr, W_edge[2 * D:], b_edge)
  nm = _sc_edge_messages(p, q, r, src, dst)

  return _final_dense(h2, nm[0], nm[1], W_cls, b_cls)

# --- scband reference (transcript-rebuilt; emitter-appended) ---
"""Pipeline reference for scband-cluster-gnnwrapper-910533067387 (READ-ONLY COPY).

The authoritative reference and input builder live on the scoring server;
editing this copy changes nothing except your own understanding.
"""

import jax, jax.numpy as jnp
import numpy as np

N = 10000
E = 320000
D = 128
DE = 16
C = 64

def setup_inputs(seed: int = 0) -> dict:
    key = jax.random.key(seed)
    ks = jax.random.split(key, 12)
    x = jax.random.normal(ks[0], (N, D), dtype=jnp.float32)
    edge_index = jax.random.randint(ks[1], (2, E), 0, N, dtype=jnp.int32)
    edge_attr = jax.random.normal(ks[2], (E, DE), dtype=jnp.float32)
    s = 1.0 / np.sqrt(D)
    W_root1 = jax.random.normal(ks[3], (D, D), dtype=jnp.float32) * s
    W_neigh1 = jax.random.normal(ks[4], (D, D), dtype=jnp.float32) * s
    W_root2 = jax.random.normal(ks[5], (D, D), dtype=jnp.float32) * s
    W_neigh2 = jax.random.normal(ks[6], (D, D), dtype=jnp.float32) * s
    se = 1.0 / np.sqrt(2 * D + DE)
    W_edge = jax.random.normal(ks[7], (2 * D + DE, D), dtype=jnp.float32) * se
    b_edge = jnp.zeros((D,), dtype=jnp.float32)
    W_cls = jax.random.normal(ks[8], (D, C), dtype=jnp.float32) * s
    b_cls = jnp.zeros((C,), dtype=jnp.float32)
    return {"x": x, "edge_index": edge_index, "edge_attr": edge_attr,
            "W_root1": W_root1, "W_neigh1": W_neigh1,
            "W_root2": W_root2, "W_neigh2": W_neigh2,
            "W_edge": W_edge, "b_edge": b_edge,
            "W_cls": W_cls, "b_cls": b_cls}

def reference(x, edge_index, edge_attr, W_root1, W_neigh1, W_root2, W_neigh2, W_edge, b_edge, W_cls, b_cls):
    src = edge_index[0]
    dst = edge_index[1]

    def conv(h, Wr, Wn):
        # SAGE-mean style conv: root transform + mean-aggregated neighbor transform
        msg = jax.ops.segment_sum(h[src], dst, num_segments=N)
        deg = jax.ops.segment_sum(jnp.ones((E, 1), dtype=h.dtype), dst, num_segments=N)
        mean = msg / jnp.clip(deg, 1.0)
        return h @ Wr + mean @ Wn

    # layer 1 (bn=Identity, relu, dropout=identity at inference)
    h = jax.nn.relu(conv(x, W_root1, W_neigh1))
    # layer 2
    h = jax.nn.relu(conv(h, W_root2, W_neigh2))
    # edge message passing
    edge_feat = jnp.concatenate([h[src], h[dst], edge_attr], axis=1)
    edge_messages = jax.nn.relu(edge_feat @ W_edge + b_edge)
    node_messages = jnp.zeros_like(h).at[src].add(edge_messages).at[dst].add(edge_messages)
    h = h + node_messages
    logits = h @ W_cls + b_cls
    return logits

if __name__ == "__main__":
    import jax
    _d = setup_inputs()
    print(jax.jit(kernel)(*tuple(_d.values())))

</pallas_src>

<mosaic_0001>
#map = affine_map<(d0, d1) -> (0)>
#map1 = affine_map<(d0, d1) -> (0, 0, 0)>
module attributes {stable_mosaic.version = 14 : i64} {
  func.func @body(%arg0: i32, %arg1: i32, %arg2: memref<320000xi32, #tpu.memory_space<hbm>>, %arg3: memref<2x10000x128xf32, #tpu.memory_space<hbm>>, %arg4: memref<2x80xi32, #tpu.memory_space<vmem>>, %arg5: memref<80x128xf32, #tpu.memory_space<vmem>>, %arg6: memref<80x128xf32, #tpu.memory_space<vmem>>, %arg7: memref<10000x128xf32, #tpu.memory_space<vmem_shared>>, %arg8: memref<!tpu.dma_semaphore, #tpu.memory_space<semaphore_mem>>, %arg9: memref<!tpu.dma_semaphore, #tpu.memory_space<semaphore_mem>>, %arg10: memref<!tpu.dma_semaphore, #tpu.memory_space<semaphore_mem>>, %arg11: memref<!tpu.dma_semaphore, #tpu.memory_space<semaphore_mem>>) attributes {dimension_semantics = [#tpu.dimension_semantics<core_parallel>, #tpu.dimension_semantics<subcore_parallel>], iteration_bounds = array<i64: 2, 16>, scalar_prefetch = 0 : i64, scratch_operands = 8 : i64, tpu.core_type = #tpu.core_type<sc_vector_subcore>, window_params = [{transform_indices = #map}, {transform_indices = #map1}]} {
    %mul3A = arith.constant 16 : i32
    %mul3A_0 = arith.muli %arg0, %mul3A : i32
    %add3A = arith.addi %mul3A_0, %arg1 : i32
    %broadcast_in_dim3A = arith.constant 0.000000e+00 : f32
    %broadcast_in_dim3A_1 = vector.broadcast %broadcast_in_dim3A : f32 to vector<16xf32>
    %scan3A = arith.constant 0 : i32
    %scan3A_2 = arith.constant 0 : i32
    %scan3A_3 = arith.constant 80 : i32
    %scan3A_4 = arith.addi %scan3A_2, %scan3A_3 : i32
    %scan3A_5 = arith.constant 1 : i32
    %scan3A_6 = scf.for %scan3A_183 = %scan3A_2 to %scan3A_4 step %scan3A_5 iter_args(%scan3A_184 = %scan3A) -> (i32)  : i32 {
      %swap3A = arith.index_cast %scan3A_183 : i32 to index
      %swap3A_185 = arith.constant 0 : index
      %swap3A_186 = tpu.vector_load %arg6[%swap3A, %swap3A_185] {strides = array<i32>} : memref<80x128xf32, #tpu.memory_space<vmem>>, vector<1x16xf32>,
      %swap3A_187 = vector.shape_cast %swap3A_186 : vector<1x16xf32> to vector<16xf32>
      %swap3A_188 = vector.shape_cast %broadcast_in_dim3A_1 : vector<16xf32> to vector<1x16xf32>
      tpu.vector_store %arg6[%swap3A, %swap3A_185], %swap3A_188 {strides = array<i32>} : memref<80x128xf32, #tpu.memory_space<vmem>>, vector<1x16xf32>,
      %swap3A_189 = arith.index_cast %scan3A_183 : i32 to index
      %swap3A_190 = arith.constant 16 : index
      %swap3A_191 = tpu.vector_load %arg6[%swap3A_189, %swap3A_190] {strides = array<i32>} : memref<80x128xf32, #tpu.memory_space<vmem>>, vector<1x16xf32>,
      %swap3A_192 = vector.shape_cast %swap3A_191 : vector<1x16xf32> to vector<16xf32>
      %swap3A_193 = vector.shape_cast %broadcast_in_dim3A_1 : vector<16xf32> to vector<1x16xf32>
      tpu.vector_store %arg6[%swap3A_189, %swap3A_190], %swap3A_193 {strides = array<i32>} : memref<80x128xf32, #tpu.memory_space<vmem>>, vector<1x16xf32>,
      %swap3A_194 = arith.index_cast %scan3A_183 : i32 to index
      %swap3A_195 = arith.constant 32 : index
      %swap3A_196 = tpu.vector_load %arg6[%swap3A_194, %swap3A_195] {strides = array<i32>} : memref<80x128xf32, #tpu.memory_space<vmem>>, vector<1x16xf32>,
      %swap3A_197 = vector.shape_cast %swap3A_196 : vector<1x16xf32> to vector<16xf32>
      %swap3A_198 = vector.shape_cast %broadcast_in_dim3A_1 : vector<16xf32> to vector<1x16xf32>
      tpu.vector_store %arg6[%swap3A_194, %swap3A_195], %swap3A_198 {strides = array<i32>} : memref<80x128xf32, #tpu.memory_space<vmem>>, vector<1x16xf32>,
      %swap3A_199 = arith.index_cast %scan3A_183 : i32 to index
      %swap3A_200 = arith.constant 48 : index
      %swap3A_201 = tpu.vector_load %arg6[%swap3A_199, %swap3A_200] {strides = array<i32>} : memref<80x128xf32, #tpu.memory_space<vmem>>, vector<1x16xf32>,
      %swap3A_202 = vector.shape_cast %swap3A_201 : vector<1x16xf32> to vector<16xf32>
      %swap3A_203 = vector.shape_cast %broadcast_in_dim3A_1 : vector<16xf32> to vector<1x16xf32>
      tpu.vector_store %arg6[%swap3A_199, %swap3A_200], %swap3A_203 {strides = array<i32>} : memref<80x128xf32, #tpu.memory_space<vmem>>, vector<1x16xf32>,
      %swap3A_204 = arith.index_cast %scan3A_183 : i32 to index
      %swap3A_205 = arith.constant 64 : index
      %swap3A_206 = tpu.vector_load %arg6[%swap3A_204, %swap3A_205] {strides = array<i32>} : memref<80x128xf32, #tpu.memory_space<vmem>>, vector<1x16xf32>,
      %swap3A_207 = vector.shape_cast %swap3A_206 : vector<1x16xf32> to vector<16xf32>
      %swap3A_208 = vector.shape_cast %broadcast_in_dim3A_1 : vector<16xf32> to vector<1x16xf32>
      tpu.vector_store %arg6[%swap3A_204, %swap3A_205], %swap3A_208 {strides = array<i32>} : memref<80x128xf32, #tpu.memory_space<vmem>>, vector<1x16xf32>,
      %swap3A_209 = arith.index_cast %scan3A_183 : i32 to index
      %swap3A_210 = arith.constant 80 : index
      %swap3A_211 = tpu.vector_load %arg6[%swap3A_209, %swap3A_210] {strides = array<i32>} : memref<80x128xf32, #tpu.memory_space<vmem>>, vector<1x16xf32>,
      %swap3A_212 = vector.shape_cast %swap3A_211 : vector<1x16xf32> to vector<16xf32>
      %swap3A_213 = vector.shape_cast %broadcast_in_dim3A_1 : vector<16xf32> to vector<1x16xf32>
      tpu.vector_store %arg6[%swap3A_209, %swap3A_210], %swap3A_213 {strides = array<i32>} : memref<80x128xf32, #tpu.memory_space<vmem>>, vector<1x16xf32>,
      %swap3A_214 = arith.index_cast %scan3A_183 : i32 to index
      %swap3A_215 = arith.constant 96 : index
      %swap3A_216 = tpu.vector_load %arg6[%swap3A_214, %swap3A_215] {strides = array<i32>} : memref<80x128xf32, #tpu.memory_space<vmem>>, vector<1x16xf32>,
      %swap3A_217 = vector.shape_cast %swap3A_216 : vector<1x16xf32> to vector<16xf32>
      %swap3A_218 = vector.shape_cast %broadcast_in_dim3A_1 : vector<16xf32> to vector<1x16xf32>
      tpu.vector_store %arg6[%swap3A_214, %swap3A_215], %swap3A_218 {strides = array<i32>} : memref<80x128xf32, #tpu.memory_space<vmem>>, vector<1x16xf32>,
      %swap3A_219 = arith.index_cast %scan3A_183 : i32 to index
      %swap3A_220 = arith.constant 112 : index
      %swap3A_221 = tpu.vector_load %arg6[%swap3A_219, %swap3A_220] {strides = array<i32>} : memref<80x128xf32, #tpu.memory_space<vmem>>, vector<1x16xf32>,
      %swap3A_222 = vector.shape_cast %swap3A_221 : vector<1x16xf32> to vector<16xf32>
      %swap3A_223 = vector.shape_cast %broadcast_in_dim3A_1 : vector<16xf32> to vector<1x16xf32>
      tpu.vector_store %arg6[%swap3A_219, %swap3A_220], %swap3A_223 {strides = array<i32>} : memref<80x128xf32, #tpu.memory_space<vmem>>, vector<1x16xf32>,
      %scan3A_224 = arith.constant 0 : i32
      scf.yield %scan3A_224 : i32
    }
    %scan3A_7 = arith.constant 80 : i32
    %broadcast_in_dim3A_8 = arith.constant 1.000000e+00 : f32
    %broadcast_in_dim3A_9 = vector.broadcast %broadcast_in_dim3A_8 : f32 to vector<16xf32>
    %scan3A_10 = arith.constant 0 : i32
    %scan3A_11 = arith.constant 0 : i32
    %scan3A_12 = arith.constant 80 : i32
    %scan3A_13 = arith.addi %scan3A_11, %scan3A_12 : i32
    %scan3A_14 = arith.constant 1 : i32
    %scan3A_15 = scf.for %scan3A_183 = %scan3A_11 to %scan3A_13 step %scan3A_14 iter_args(%scan3A_184 = %scan3A_10) -> (i32)  : i32 {
      %swap3A = arith.index_cast %scan3A_183 : i32 to index
      %swap3A_185 = arith.constant 0 : index
      %swap3A_186 = tpu.vector_load %arg5[%swap3A, %swap3A_185] {strides = array<i32>} : memref<80x128xf32, #tpu.memory_space<vmem>>, vector<1x16xf32>,
      %swap3A_187 = vector.shape_cast %swap3A_186 : vector<1x16xf32> to vector<16xf32>
      %swap3A_188 = vector.shape_cast %broadcast_in_dim3A_9 : vector<16xf32> to vector<1x16xf32>
      tpu.vector_store %arg5[%swap3A, %swap3A_185], %swap3A_188 {strides = array<i32>} : memref<80x128xf32, #tpu.memory_space<vmem>>, vector<1x16xf32>,
      %swap3A_189 = arith.index_cast %scan3A_183 : i32 to index
      %swap3A_190 = arith.constant 16 : index
      %swap3A_191 = tpu.vector_load %arg5[%swap3A_189, %swap3A_190] {strides = array<i32>} : memref<80x128xf32, #tpu.memory_space<vmem>>, vector<1x16xf32>,
      %swap3A_192 = vector.shape_cast %swap3A_191 : vector<1x16xf32> to vector<16xf32>
      %swap3A_193 = vector.shape_cast %broadcast_in_dim3A_9 : vector<16xf32> to vector<1x16xf32>
      tpu.vector_store %arg5[%swap3A_189, %swap3A_190], %swap3A_193 {strides = array<i32>} : memref<80x128xf32, #tpu.memory_space<vmem>>, vector<1x16xf32>,
      %swap3A_194 = arith.index_cast %scan3A_183 : i32 to index
      %swap3A_195 = arith.constant 32 : index
      %swap3A_196 = tpu.vector_load %arg5[%swap3A_194, %swap3A_195] {strides = array<i32>} : memref<80x128xf32, #tpu.memory_space<vmem>>, vector<1x16xf32>,
      %swap3A_197 = vector.shape_cast %swap3A_196 : vector<1x16xf32> to vector<16xf32>
      %swap3A_198 = vector.shape_cast %broadcast_in_dim3A_9 : vector<16xf32> to vector<1x16xf32>
      tpu.vector_store %arg5[%swap3A_194, %swap3A_195], %swap3A_198 {strides = array<i32>} : memref<80x128xf32, #tpu.memory_space<vmem>>, vector<1x16xf32>,
      %swap3A_199 = arith.index_cast %scan3A_183 : i32 to index
      %swap3A_200 = arith.constant 48 : index
      %swap3A_201 = tpu.vector_load %arg5[%swap3A_199, %swap3A_200] {strides = array<i32>} : memref<80x128xf32, #tpu.memory_space<vmem>>, vector<1x16xf32>,
      %swap3A_202 = vector.shape_cast %swap3A_201 : vector<1x16xf32> to vector<16xf32>
      %swap3A_203 = vector.shape_cast %broadcast_in_dim3A_9 : vector<16xf32> to vector<1x16xf32>
      tpu.vector_store %arg5[%swap3A_199, %swap3A_200], %swap3A_203 {strides = array<i32>} : memref<80x128xf32, #tpu.memory_space<vmem>>, vector<1x16xf32>,
      %swap3A_204 = arith.index_cast %scan3A_183 : i32 to index
      %swap3A_205 = arith.constant 64 : index
      %swap3A_206 = tpu.vector_load %arg5[%swap3A_204, %swap3A_205] {strides = array<i32>} : memref<80x128xf32, #tpu.memory_space<vmem>>, vector<1x16xf32>,
      %swap3A_207 = vector.shape_cast %swap3A_206 : vector<1x16xf32> to vector<16xf32>
      %swap3A_208 = vector.shape_cast %broadcast_in_dim3A_9 : vector<16xf32> to vector<1x16xf32>
      tpu.vector_store %arg5[%swap3A_204, %swap3A_205], %swap3A_208 {strides = array<i32>} : memref<80x128xf32, #tpu.memory_space<vmem>>, vector<1x16xf32>,
      %swap3A_209 = arith.index_cast %scan3A_183 : i32 to index
      %swap3A_210 = arith.constant 80 : index
      %swap3A_211 = tpu.vector_load %arg5[%swap3A_209, %swap3A_210] {strides = array<i32>} : memref<80x128xf32, #tpu.memory_space<vmem>>, vector<1x16xf32>,
      %swap3A_212 = vector.shape_cast %swap3A_211 : vector<1x16xf32> to vector<16xf32>
      %swap3A_213 = vector.shape_cast %broadcast_in_dim3A_9 : vector<16xf32> to vector<1x16xf32>
      tpu.vector_store %arg5[%swap3A_209, %swap3A_210], %swap3A_213 {strides = array<i32>} : memref<80x128xf32, #tpu.memory_space<vmem>>, vector<1x16xf32>,
      %swap3A_214 = arith.index_cast %scan3A_183 : i32 to index
      %swap3A_215 = arith.constant 96 : index
      %swap3A_216 = tpu.vector_load %arg5[%swap3A_214, %swap3A_215] {strides = array<i32>} : memref<80x128xf32, #tpu.memory_space<vmem>>, vector<1x16xf32>,
      %swap3A_217 = vector.shape_cast %swap3A_216 : vector<1x16xf32> to vector<16xf32>
      %swap3A_218 = vector.shape_cast %broadcast_in_dim3A_9 : vector<16xf32> to vector<1x16xf32>
      tpu.vector_store %arg5[%swap3A_214, %swap3A_215], %swap3A_218 {strides = array<i32>} : memref<80x128xf32, #tpu.memory_space<vmem>>, vector<1x16xf32>,
      %swap3A_219 = arith.index_cast %scan3A_183 : i32 to index
      %swap3A_220 = arith.constant 112 : index
      %swap3A_221 = tpu.vector_load %arg5[%swap3A_219, %swap3A_220] {strides = array<i32>} : memref<80x128xf32, #tpu.memory_space<vmem>>, vector<1x16xf32>,
      %swap3A_222 = vector.shape_cast %swap3A_221 : vector<1x16xf32> to vector<16xf32>
      %swap3A_223 = vector.shape_cast %broadcast_in_dim3A_9 : vector<16xf32> to vector<1x16xf32>
      tpu.vector_store %arg5[%swap3A_219, %swap3A_220], %swap3A_223 {strides = array<i32>} : memref<80x128xf32, #tpu.memory_space<vmem>>, vector<1x16xf32>,
      %scan3A_224 = arith.constant 0 : i32
      scf.yield %scan3A_224 : i32
    }
    %scan3A_16 = arith.constant 80 : i32
    %add3A_17 = arith.constant 0 : i32
    %add3A_18 = arith.addi %add3A_17, %arg1 : i32
    %lt3A = arith.constant 125 : i32
    %lt3A_19 = arith.cmpi slt, %add3A_18, %lt3A : i32
    %convert_element_type3A = arith.extui %lt3A_19 : i1 to i32
    %cond3A = arith.constant 0 : i32
    %cond3A_20 = arith.cmpi ne, %convert_element_type3A, %cond3A : i32
    scf.if %cond3A_20 {
      %mul3A_183 = arith.constant 80 : i32
      %mul3A_184 = arith.muli %add3A_18, %mul3A_183 : i32
      %multiple_of3A_185 = tpu.assume_multiple %mul3A_184, 8 : i32
      "tpu.region"() ({
        %run_scoped3A = tpu.sem_alloc : memref<!tpu.dma_semaphore, #tpu.memory_space<semaphore_mem>>
        %dma_start3A_186 = arith.constant 0 : i32
        %dma_start3A_187 = tpu.memref_slice %arg7[%multiple_of3A_185, %dma_start3A_186] : memref<10000x128xf32, #tpu.memory_space<vmem_shared>> -> memref<80x128xf32, #tpu.memory_space<vmem_shared>>
        %dma_start3A_188 = arith.constant 0 : i32
        %dma_start3A_189 = tpu.memref_slice %arg7[%multiple_of3A_185, %dma_start3A_188] : memref<10000x128xf32, #tpu.memory_space<vmem_shared>> -> memref<80x128xf32, #tpu.memory_space<vmem_shared>>
        tpu.enqueue_dma source(%arg6 : memref<80x128xf32, #tpu.memory_space<vmem>>) target(%dma_start3A_189 : memref<80x128xf32, #tpu.memory_space<vmem_shared>>) target_semaphore(%run_scoped3A : memref<!tpu.dma_semaphore, #tpu.memory_space<semaphore_mem>>)
        %dma_wait3A_190 = arith.constant 0 : i32
        %dma_wait3A_191 = tpu.memref_slice %arg7[%multiple_of3A_185, %dma_wait3A_190] : memref<10000x128xf32, #tpu.memory_space<vmem_shared>> -> memref<80x128xf32, #tpu.memory_space<vmem_shared>>
        %dma_wait3A_192 = arith.constant 0 : i32
        %dma_wait3A_193 = tpu.memref_slice %arg7[%multiple_of3A_185, %dma_wait3A_192] : memref<10000x128xf32, #tpu.memory_space<vmem_shared>> -> memref<80x128xf32, #tpu.memory_space<vmem_shared>>
        tpu.wait_dma2 semaphore(%run_scoped3A : memref<!tpu.dma_semaphore, #tpu.memory_space<semaphore_mem>>) src(%arg6 : memref<80x128xf32, #tpu.memory_space<vmem>>) dst(%dma_wait3A_193 : memref<80x128xf32, #tpu.memory_space<vmem_shared>>)
        tpu.yield
      }) : () -> ()
    } else {
    }
    %add3A_21 = arith.constant 16 : i32
    %add3A_22 = arith.addi %add3A_21, %arg1 : i32
    %lt3A_23 = arith.constant 125 : i32
    %lt3A_24 = arith.cmpi slt, %add3A_22, %lt3A_23 : i32
    %convert_element_type3A_25 = arith.extui %lt3A_24 : i1 to i32
    %cond3A_26 = arith.constant 0 : i32
    %cond3A_27 = arith.cmpi ne, %convert_element_type3A_25, %cond3A_26 : i32
    scf.if %cond3A_27 {
      %mul3A_183 = arith.constant 80 : i32
      %mul3A_184 = arith.muli %add3A_22, %mul3A_183 : i32
      %multiple_of3A_185 = tpu.assume_multiple %mul3A_184, 8 : i32
      "tpu.region"() ({
        %run_scoped3A = tpu.sem_alloc : memref<!tpu.dma_semaphore, #tpu.memory_space<semaphore_mem>>
        %dma_start3A_186 = arith.constant 0 : i32
        %dma_start3A_187 = tpu.memref_slice %arg7[%multiple_of3A_185, %dma_start3A_186] : memref<10000x128xf32, #tpu.memory_space<vmem_shared>> -> memref<80x128xf32, #tpu.memory_space<vmem_shared>>
        %dma_start3A_188 = arith.constant 0 : i32
        %dma_start3A_189 = tpu.memref_slice %arg7[%multiple_of3A_185, %dma_start3A_188] : memref<10000x128xf32, #tpu.memory_space<vmem_shared>> -> memref<80x128xf32, #tpu.memory_space<vmem_shared>>
        tpu.enqueue_dma source(%arg6 : memref<80x128xf32, #tpu.memory_space<vmem>>) target(%dma_start3A_189 : memref<80x128xf32, #tpu.memory_space<vmem_shared>>) target_semaphore(%run_scoped3A : memref<!tpu.dma_semaphore, #tpu.memory_space<semaphore_mem>>)
        %dma_wait3A_190 = arith.constant 0 : i32
        %dma_wait3A_191 = tpu.memref_slice %arg7[%multiple_of3A_185, %dma_wait3A_190] : memref<10000x128xf32, #tpu.memory_space<vmem_shared>> -> memref<80x128xf32, #tpu.memory_space<vmem_shared>>
        %dma_wait3A_192 = arith.constant 0 : i32
        %dma_wait3A_193 = tpu.memref_slice %arg7[%multiple_of3A_185, %dma_wait3A_192] : memref<10000x128xf32, #tpu.memory_space<vmem_shared>> -> memref<80x128xf32, #tpu.memory_space<vmem_shared>>
        tpu.wait_dma2 semaphore(%run_scoped3A : memref<!tpu.dma_semaphore, #tpu.memory_space<semaphore_mem>>) src(%arg6 : memref<80x128xf32, #tpu.memory_space<vmem>>) dst(%dma_wait3A_193 : memref<80x128xf32, #tpu.memory_space<vmem_shared>>)
        tpu.yield
      }) : () -> ()
    } else {
    }
    %add3A_28 = arith.constant 32 : i32
    %add3A_29 = arith.addi %add3A_28, %arg1 : i32
    %lt3A_30 = arith.constant 125 : i32
    %lt3A_31 = arith.cmpi slt, %add3A_29, %lt3A_30 : i32
    %convert_element_type3A_32 = arith.extui %lt3A_31 : i1 to i32
    %cond3A_33 = arith.constant 0 : i32
    %cond3A_34 = arith.cmpi ne, %convert_element_type3A_32, %cond3A_33 : i32
    scf.if %cond3A_34 {
      %mul3A_183 = arith.constant 80 : i32
      %mul3A_184 = arith.muli %add3A_29, %mul3A_183 : i32
      %multiple_of3A_185 = tpu.assume_multiple %mul3A_184, 8 : i32
      "tpu.region"() ({
        %run_scoped3A = tpu.sem_alloc : memref<!tpu.dma_semaphore, #tpu.memory_space<semaphore_mem>>
        %dma_start3A_186 = arith.constant 0 : i32
        %dma_start3A_187 = tpu.memref_slice %arg7[%multiple_of3A_185, %dma_start3A_186] : memref<10000x128xf32, #tpu.memory_space<vmem_shared>> -> memref<80x128xf32, #tpu.memory_space<vmem_shared>>
        %dma_start3A_188 = arith.constant 0 : i32
        %dma_start3A_189 = tpu.memref_slice %arg7[%multiple_of3A_185, %dma_start3A_188] : memref<10000x128xf32, #tpu.memory_space<vmem_shared>> -> memref<80x128xf32, #tpu.memory_space<vmem_shared>>
        tpu.enqueue_dma source(%arg6 : memref<80x128xf32, #tpu.memory_space<vmem>>) target(%dma_start3A_189 : memref<80x128xf32, #tpu.memory_space<vmem_shared>>) target_semaphore(%run_scoped3A : memref<!tpu.dma_semaphore, #tpu.memory_space<semaphore_mem>>)
        %dma_wait3A_190 = arith.constant 0 : i32
        %dma_wait3A_191 = tpu.memref_slice %arg7[%multiple_of3A_185, %dma_wait3A_190] : memref<10000x128xf32, #tpu.memory_space<vmem_shared>> -> memref<80x128xf32, #tpu.memory_space<vmem_shared>>
        %dma_wait3A_192 = arith.constant 0 : i32
        %dma_wait3A_193 = tpu.memref_slice %arg7[%multiple_of3A_185, %dma_wait3A_192] : memref<10000x128xf32, #tpu.memory_space<vmem_shared>> -> memref<80x128xf32, #tpu.memory_space<vmem_shared>>
        tpu.wait_dma2 semaphore(%run_scoped3A : memref<!tpu.dma_semaphore, #tpu.memory_space<semaphore_mem>>) src(%arg6 : memref<80x128xf32, #tpu.memory_space<vmem>>) dst(%dma_wait3A_193 : memref<80x128xf32, #tpu.memory_space<vmem_shared>>)
        tpu.yield
      }) : () -> ()
    } else {
    }
    %add3A_35 = arith.constant 48 : i32
    %add3A_36 = arith.addi %add3A_35, %arg1 : i32
    %lt3A_37 = arith.constant 125 : i32
    %lt3A_38 = arith.cmpi slt, %add3A_36, %lt3A_37 : i32
    %convert_element_type3A_39 = arith.extui %lt3A_38 : i1 to i32
    %cond3A_40 = arith.constant 0 : i32
    %cond3A_41 = arith.cmpi ne, %convert_element_type3A_39, %cond3A_40 : i32
    scf.if %cond3A_41 {
      %mul3A_183 = arith.constant 80 : i32
      %mul3A_184 = arith.muli %add3A_36, %mul3A_183 : i32
      %multiple_of3A_185 = tpu.assume_multiple %mul3A_184, 8 : i32
      "tpu.region"() ({
        %run_scoped3A = tpu.sem_alloc : memref<!tpu.dma_semaphore, #tpu.memory_space<semaphore_mem>>
        %dma_start3A_186 = arith.constant 0 : i32
        %dma_start3A_187 = tpu.memref_slice %arg7[%multiple_of3A_185, %dma_start3A_186] : memref<10000x128xf32, #tpu.memory_space<vmem_shared>> -> memref<80x128xf32, #tpu.memory_space<vmem_shared>>
        %dma_start3A_188 = arith.constant 0 : i32
        %dma_start3A_189 = tpu.memref_slice %arg7[%multiple_of3A_185, %dma_start3A_188] : memref<10000x128xf32, #tpu.memory_space<vmem_shared>> -> memref<80x128xf32, #tpu.memory_space<vmem_shared>>
        tpu.enqueue_dma source(%arg6 : memref<80x128xf32, #tpu.memory_space<vmem>>) target(%dma_start3A_189 : memref<80x128xf32, #tpu.memory_space<vmem_shared>>) target_semaphore(%run_scoped3A : memref<!tpu.dma_semaphore, #tpu.memory_space<semaphore_mem>>)
        %dma_wait3A_190 = arith.constant 0 : i32
        %dma_wait3A_191 = tpu.memref_slice %arg7[%multiple_of3A_185, %dma_wait3A_190] : memref<10000x128xf32, #tpu.memory_space<vmem_shared>> -> memref<80x128xf32, #tpu.memory_space<vmem_shared>>
        %dma_wait3A_192 = arith.constant 0 : i32
        %dma_wait3A_193 = tpu.memref_slice %arg7[%multiple_of3A_185, %dma_wait3A_192] : memref<10000x128xf32, #tpu.memory_space<vmem_shared>> -> memref<80x128xf32, #tpu.memory_space<vmem_shared>>
        tpu.wait_dma2 semaphore(%run_scoped3A : memref<!tpu.dma_semaphore, #tpu.memory_space<semaphore_mem>>) src(%arg6 : memref<80x128xf32, #tpu.memory_space<vmem>>) dst(%dma_wait3A_193 : memref<80x128xf32, #tpu.memory_space<vmem_shared>>)
        tpu.yield
      }) : () -> ()
    } else {
    }
    %add3A_42 = arith.constant 64 : i32
    %add3A_43 = arith.addi %add3A_42, %arg1 : i32
    %lt3A_44 = arith.constant 125 : i32
    %lt3A_45 = arith.cmpi slt, %add3A_43, %lt3A_44 : i32
    %convert_element_type3A_46 = arith.extui %lt3A_45 : i1 to i32
    %cond3A_47 = arith.constant 0 : i32
    %cond3A_48 = arith.cmpi ne, %convert_element_type3A_46, %cond3A_47 : i32
    scf.if %cond3A_48 {
      %mul3A_183 = arith.constant 80 : i32
      %mul3A_184 = arith.muli %add3A_43, %mul3A_183 : i32
      %multiple_of3A_185 = tpu.assume_multiple %mul3A_184, 8 : i32
      "tpu.region"() ({
        %run_scoped3A = tpu.sem_alloc : memref<!tpu.dma_semaphore, #tpu.memory_space<semaphore_mem>>
        %dma_start3A_186 = arith.constant 0 : i32
        %dma_start3A_187 = tpu.memref_slice %arg7[%multiple_of3A_185, %dma_start3A_186] : memref<10000x128xf32, #tpu.memory_space<vmem_shared>> -> memref<80x128xf32, #tpu.memory_space<vmem_shared>>
        %dma_start3A_188 = arith.constant 0 : i32
        %dma_start3A_189 = tpu.memref_slice %arg7[%multiple_of3A_185, %dma_start3A_188] : memref<10000x128xf32, #tpu.memory_space<vmem_shared>> -> memref<80x128xf32, #tpu.memory_space<vmem_shared>>
        tpu.enqueue_dma source(%arg6 : memref<80x128xf32, #tpu.memory_space<vmem>>) target(%dma_start3A_189 : memref<80x128xf32, #tpu.memory_space<vmem_shared>>) target_semaphore(%run_scoped3A : memref<!tpu.dma_semaphore, #tpu.memory_space<semaphore_mem>>)
        %dma_wait3A_190 = arith.constant 0 : i32
        %dma_wait3A_191 = tpu.memref_slice %arg7[%multiple_of3A_185, %dma_wait3A_190] : memref<10000x128xf32, #tpu.memory_space<vmem_shared>> -> memref<80x128xf32, #tpu.memory_space<vmem_shared>>
        %dma_wait3A_192 = arith.constant 0 : i32
        %dma_wait3A_193 = tpu.memref_slice %arg7[%multiple_of3A_185, %dma_wait3A_192] : memref<10000x128xf32, #tpu.memory_space<vmem_shared>> -> memref<80x128xf32, #tpu.memory_space<vmem_shared>>
        tpu.wait_dma2 semaphore(%run_scoped3A : memref<!tpu.dma_semaphore, #tpu.memory_space<semaphore_mem>>) src(%arg6 : memref<80x128xf32, #tpu.memory_space<vmem>>) dst(%dma_wait3A_193 : memref<80x128xf32, #tpu.memory_space<vmem_shared>>)
        tpu.yield
      }) : () -> ()
    } else {
    }
    %add3A_49 = arith.constant 80 : i32
    %add3A_50 = arith.addi %add3A_49, %arg1 : i32
    %lt3A_51 = arith.constant 125 : i32
    %lt3A_52 = arith.cmpi slt, %add3A_50, %lt3A_51 : i32
    %convert_element_type3A_53 = arith.extui %lt3A_52 : i1 to i32
    %cond3A_54 = arith.constant 0 : i32
    %cond3A_55 = arith.cmpi ne, %convert_element_type3A_53, %cond3A_54 : i32
    scf.if %cond3A_55 {
      %mul3A_183 = arith.constant 80 : i32
      %mul3A_184 = arith.muli %add3A_50, %mul3A_183 : i32
      %multiple_of3A_185 = tpu.assume_multiple %mul3A_184, 8 : i32
      "tpu.region"() ({
        %run_scoped3A = tpu.sem_alloc : memref<!tpu.dma_semaphore, #tpu.memory_space<semaphore_mem>>
        %dma_start3A_186 = arith.constant 0 : i32
        %dma_start3A_187 = tpu.memref_slice %arg7[%multiple_of3A_185, %dma_start3A_186] : memref<10000x128xf32, #tpu.memory_space<vmem_shared>> -> memref<80x128xf32, #tpu.memory_space<vmem_shared>>
        %dma_start3A_188 = arith.constant 0 : i32
        %dma_start3A_189 = tpu.memref_slice %arg7[%multiple_of3A_185, %dma_start3A_188] : memref<10000x128xf32, #tpu.memory_space<vmem_shared>> -> memref<80x128xf32, #tpu.memory_space<vmem_shared>>
        tpu.enqueue_dma source(%arg6 : memref<80x128xf32, #tpu.memory_space<vmem>>) target(%dma_start3A_189 : memref<80x128xf32, #tpu.memory_space<vmem_shared>>) target_semaphore(%run_scoped3A : memref<!tpu.dma_semaphore, #tpu.memory_space<semaphore_mem>>)
        %dma_wait3A_190 = arith.constant 0 : i32
        %dma_wait3A_191 = tpu.memref_slice %arg7[%multiple_of3A_185, %dma_wait3A_190] : memref<10000x128xf32, #tpu.memory_space<vmem_shared>> -> memref<80x128xf32, #tpu.memory_space<vmem_shared>>
        %dma_wait3A_192 = arith.constant 0 : i32
        %dma_wait3A_193 = tpu.memref_slice %arg7[%multiple_of3A_185, %dma_wait3A_192] : memref<10000x128xf32, #tpu.memory_space<vmem_shared>> -> memref<80x128xf32, #tpu.memory_space<vmem_shared>>
        tpu.wait_dma2 semaphore(%run_scoped3A : memref<!tpu.dma_semaphore, #tpu.memory_space<semaphore_mem>>) src(%arg6 : memref<80x128xf32, #tpu.memory_space<vmem>>) dst(%dma_wait3A_193 : memref<80x128xf32, #tpu.memory_space<vmem_shared>>)
        tpu.yield
      }) : () -> ()
    } else {
    }
    %add3A_56 = arith.constant 96 : i32
    %add3A_57 = arith.addi %add3A_56, %arg1 : i32
    %lt3A_58 = arith.constant 125 : i32
    %lt3A_59 = arith.cmpi slt, %add3A_57, %lt3A_58 : i32
    %convert_element_type3A_60 = arith.extui %lt3A_59 : i1 to i32
    %cond3A_61 = arith.constant 0 : i32
    %cond3A_62 = arith.cmpi ne, %convert_element_type3A_60, %cond3A_61 : i32
    scf.if %cond3A_62 {
      %mul3A_183 = arith.constant 80 : i32
      %mul3A_184 = arith.muli %add3A_57, %mul3A_183 : i32
      %multiple_of3A_185 = tpu.assume_multiple %mul3A_184, 8 : i32
      "tpu.region"() ({
        %run_scoped3A = tpu.sem_alloc : memref<!tpu.dma_semaphore, #tpu.memory_space<semaphore_mem>>
        %dma_start3A_186 = arith.constant 0 : i32
        %dma_start3A_187 = tpu.memref_slice %arg7[%multiple_of3A_185, %dma_start3A_186] : memref<10000x128xf32, #tpu.memory_space<vmem_shared>> -> memref<80x128xf32, #tpu.memory_space<vmem_shared>>
        %dma_start3A_188 = arith.constant 0 : i32
        %dma_start3A_189 = tpu.memref_slice %arg7[%multiple_of3A_185, %dma_start3A_188] : memref<10000x128xf32, #tpu.memory_space<vmem_shared>> -> memref<80x128xf32, #tpu.memory_space<vmem_shared>>
        tpu.enqueue_dma source(%arg6 : memref<80x128xf32, #tpu.memory_space<vmem>>) target(%dma_start3A_189 : memref<80x128xf32, #tpu.memory_space<vmem_shared>>) target_semaphore(%run_scoped3A : memref<!tpu.dma_semaphore, #tpu.memory_space<semaphore_mem>>)
        %dma_wait3A_190 = arith.constant 0 : i32
        %dma_wait3A_191 = tpu.memref_slice %arg7[%multiple_of3A_185, %dma_wait3A_190] : memref<10000x128xf32, #tpu.memory_space<vmem_shared>> -> memref<80x128xf32, #tpu.memory_space<vmem_shared>>
        %dma_wait3A_192 = arith.constant 0 : i32
        %dma_wait3A_193 = tpu.memref_slice %arg7[%multiple_of3A_185, %dma_wait3A_192] : memref<10000x128xf32, #tpu.memory_space<vmem_shared>> -> memref<80x128xf32, #tpu.memory_space<vmem_shared>>
        tpu.wait_dma2 semaphore(%run_scoped3A : memref<!tpu.dma_semaphore, #tpu.memory_space<semaphore_mem>>) src(%arg6 : memref<80x128xf32, #tpu.memory_space<vmem>>) dst(%dma_wait3A_193 : memref<80x128xf32, #tpu.memory_space<vmem_shared>>)
        tpu.yield
      }) : () -> ()
    } else {
    }
    %add3A_63 = arith.constant 112 : i32
    %add3A_64 = arith.addi %add3A_63, %arg1 : i32
    %lt3A_65 = arith.constant 125 : i32
    %lt3A_66 = arith.cmpi slt, %add3A_64, %lt3A_65 : i32
    %convert_element_type3A_67 = arith.extui %lt3A_66 : i1 to i32
    %cond3A_68 = arith.constant 0 : i32
    %cond3A_69 = arith.cmpi ne, %convert_element_type3A_67, %cond3A_68 : i32
    scf.if %cond3A_69 {
      %mul3A_183 = arith.constant 80 : i32
      %mul3A_184 = arith.muli %add3A_64, %mul3A_183 : i32
      %multiple_of3A_185 = tpu.assume_multiple %mul3A_184, 8 : i32
      "tpu.region"() ({
        %run_scoped3A = tpu.sem_alloc : memref<!tpu.dma_semaphore, #tpu.memory_space<semaphore_mem>>
        %dma_start3A_186 = arith.constant 0 : i32
        %dma_start3A_187 = tpu.memref_slice %arg7[%multiple_of3A_185, %dma_start3A_186] : memref<10000x128xf32, #tpu.memory_space<vmem_shared>> -> memref<80x128xf32, #tpu.memory_space<vmem_shared>>
        %dma_start3A_188 = arith.constant 0 : i32
        %dma_start3A_189 = tpu.memref_slice %arg7[%multiple_of3A_185, %dma_start3A_188] : memref<10000x128xf32, #tpu.memory_space<vmem_shared>> -> memref<80x128xf32, #tpu.memory_space<vmem_shared>>
        tpu.enqueue_dma source(%arg6 : memref<80x128xf32, #tpu.memory_space<vmem>>) target(%dma_start3A_189 : memref<80x128xf32, #tpu.memory_space<vmem_shared>>) target_semaphore(%run_scoped3A : memref<!tpu.dma_semaphore, #tpu.memory_space<semaphore_mem>>)
        %dma_wait3A_190 = arith.constant 0 : i32
        %dma_wait3A_191 = tpu.memref_slice %arg7[%multiple_of3A_185, %dma_wait3A_190] : memref<10000x128xf32, #tpu.memory_space<vmem_shared>> -> memref<80x128xf32, #tpu.memory_space<vmem_shared>>
        %dma_wait3A_192 = arith.constant 0 : i32
        %dma_wait3A_193 = tpu.memref_slice %arg7[%multiple_of3A_185, %dma_wait3A_192] : memref<10000x128xf32, #tpu.memory_space<vmem_shared>> -> memref<80x128xf32, #tpu.memory_space<vmem_shared>>
        tpu.wait_dma2 semaphore(%run_scoped3A : memref<!tpu.dma_semaphore, #tpu.memory_space<semaphore_mem>>) src(%arg6 : memref<80x128xf32, #tpu.memory_space<vmem>>) dst(%dma_wait3A_193 : memref<80x128xf32, #tpu.memory_space<vmem_shared>>)
        tpu.yield
      }) : () -> ()
    } else {
    }
    %barrier3A = arith.constant 0 : index
    tpu.barrier barrier_id(%barrier3A)
    %mul3A_70 = arith.constant 10000 : i32
    %mul3A_71 = arith.muli %add3A, %mul3A_70 : i32
    %add3A_72 = arith.constant 0 : i32
    %add3A_73 = arith.addi %mul3A_71, %add3A_72 : i32
    %multiple_of3A = tpu.assume_multiple %add3A_73, 8 : i32
    %dma_start3A = arith.constant 0 : i32
    %dma_start3A_74 = arith.constant 0 : i32
    %dma_start3A_75 = tpu.memref_slice %arg4[%dma_start3A, %dma_start3A_74] : memref<2x80xi32, #tpu.memory_space<vmem>> -> memref<1x80xi32, #tpu.memory_space<vmem>>
    %dma_start3A_76 = tpu.memref_squeeze %dma_start3A_75 : memref<1x80xi32, #tpu.memory_space<vmem>> -> memref<80xi32, #tpu.memory_space<vmem>>
    %dma_start3A_77 = tpu.memref_slice %arg2[%multiple_of3A] : memref<320000xi32, #tpu.memory_space<hbm>> -> memref<80xi32, #tpu.memory_space<hbm>>
    %dma_start3A_78 = arith.constant 0 : i32
    %dma_start3A_79 = tpu.memref_slice %arg4[%dma_start3A, %dma_start3A_78] : memref<2x80xi32, #tpu.memory_space<vmem>> -> memref<1x80xi32, #tpu.memory_space<vmem>>
    %dma_start3A_80 = tpu.memref_squeeze %dma_start3A_79 : memref<1x80xi32, #tpu.memory_space<vmem>> -> memref<80xi32, #tpu.memory_space<vmem>>
    %dma_start3A_81 = tpu.memref_slice %arg2[%multiple_of3A] : memref<320000xi32, #tpu.memory_space<hbm>> -> memref<80xi32, #tpu.memory_space<hbm>>
    tpu.enqueue_dma source(%dma_start3A_81 : memref<80xi32, #tpu.memory_space<hbm>>) target(%dma_start3A_80 : memref<80xi32, #tpu.memory_space<vmem>>) target_semaphore(%arg10 : memref<!tpu.dma_semaphore, #tpu.memory_space<semaphore_mem>>)
    %dma_wait3A = arith.constant 0 : i32
    %dma_wait3A_82 = arith.constant 0 : i32
    %dma_wait3A_83 = tpu.memref_slice %arg4[%dma_wait3A, %dma_wait3A_82] : memref<2x80xi32, #tpu.memory_space<vmem>> -> memref<1x80xi32, #tpu.memory_space<vmem>>
    %dma_wait3A_84 = tpu.memref_squeeze %dma_wait3A_83 : memref<1x80xi32, #tpu.memory_space<vmem>> -> memref<80xi32, #tpu.memory_space<vmem>>
    %dma_wait3A_85 = arith.constant 0 : i32
    %dma_wait3A_86 = tpu.memref_slice %arg2[%dma_wait3A_85] : memref<320000xi32, #tpu.memory_space<hbm>> -> memref<80xi32, #tpu.memory_space<hbm>>
    %dma_wait3A_87 = arith.constant 0 : i32
    %dma_wait3A_88 = tpu.memref_slice %arg4[%dma_wait3A, %dma_wait3A_87] : memref<2x80xi32, #tpu.memory_space<vmem>> -> memref<1x80xi32, #tpu.memory_space<vmem>>
    %dma_wait3A_89 = tpu.memref_squeeze %dma_wait3A_88 : memref<1x80xi32, #tpu.memory_space<vmem>> -> memref<80xi32, #tpu.memory_space<vmem>>
    %dma_wait3A_90 = arith.constant 0 : i32
    %dma_wait3A_91 = tpu.memref_slice %arg2[%dma_wait3A_90] : memref<320000xi32, #tpu.memory_space<hbm>> -> memref<80xi32, #tpu.memory_space<hbm>>
    tpu.wait_dma2 semaphore(%arg10 : memref<!tpu.dma_semaphore, #tpu.memory_space<semaphore_mem>>) src(%dma_wait3A_91 : memref<80xi32, #tpu.memory_space<hbm>>) dst(%dma_wait3A_89 : memref<80xi32, #tpu.memory_space<vmem>>)
    %dma_start3A_92 = arith.constant 0 : i32
    %dma_start3A_93 = arith.constant 0 : i32
    %dma_start3A_94 = tpu.memref_slice %arg4[%dma_start3A_92, %dma_start3A_93] : memref<2x80xi32, #tpu.memory_space<vmem>> -> memref<1x80xi32, #tpu.memory_space<vmem>>
    %dma_start3A_95 = tpu.memref_squeeze %dma_start3A_94 : memref<1x80xi32, #tpu.memory_space<vmem>> -> memref<80xi32, #tpu.memory_space<vmem>>
    %dma_start3A_96 = arith.constant 0 : i32
    %dma_start3A_97 = arith.constant 0 : i32
    %dma_start3A_98 = tpu.memref_slice %arg7[%dma_start3A_96, %dma_start3A_97] : memref<10000x128xf32, #tpu.memory_space<vmem_shared>> -> memref<10000x128xf32, #tpu.memory_space<vmem_shared>>
    tpu.enqueue_indirect_dma source(%arg5 : memref<80x128xf32, #tpu.memory_space<vmem>>) target(%dma_start3A_98 : memref<10000x128xf32, #tpu.memory_space<vmem_shared>>) offsets(%dma_start3A_95 : memref<80xi32, #tpu.memory_space<vmem>>) semaphore(%arg8 : memref<!tpu.dma_semaphore, #tpu.memory_space<semaphore_mem>>) {add = true}
    %mul3A_99 = arith.constant 10000 : i32
    %mul3A_100 = arith.muli %add3A, %mul3A_99 : i32
    %add3A_101 = arith.constant 80 : i32
    %add3A_102 = arith.addi %mul3A_100, %add3A_101 : i32
    %multiple_of3A_103 = tpu.assume_multiple %add3A_102, 8 : i32
    %dma_start3A_104 = arith.constant 1 : i32
    %dma_start3A_105 = arith.constant 0 : i32
    %dma_start3A_106 = tpu.memref_slice %arg4[%dma_start3A_104, %dma_start3A_105] : memref<2x80xi32, #tpu.memory_space<vmem>> -> memref<1x80xi32, #tpu.memory_space<vmem>>
    %dma_start3A_107 = tpu.memref_squeeze %dma_start3A_106 : memref<1x80xi32, #tpu.memory_space<vmem>> -> memref<80xi32, #tpu.memory_space<vmem>>
    %dma_start3A_108 = tpu.memref_slice %arg2[%multiple_of3A_103] : memref<320000xi32, #tpu.memory_space<hbm>> -> memref<80xi32, #tpu.memory_space<hbm>>
    %dma_start3A_109 = arith.constant 0 : i32
    %dma_start3A_110 = tpu.memref_slice %arg4[%dma_start3A_104, %dma_start3A_109] : memref<2x80xi32, #tpu.memory_space<vmem>> -> memref<1x80xi32, #tpu.memory_space<vmem>>
    %dma_start3A_111 = tpu.memref_squeeze %dma_start3A_110 : memref<1x80xi32, #tpu.memory_space<vmem>> -> memref<80xi32, #tpu.memory_space<vmem>>
    %dma_start3A_112 = tpu.memref_slice %arg2[%multiple_of3A_103] : memref<320000xi32, #tpu.memory_space<hbm>> -> memref<80xi32, #tpu.memory_space<hbm>>
    tpu.enqueue_dma source(%dma_start3A_112 : memref<80xi32, #tpu.memory_space<hbm>>) target(%dma_start3A_111 : memref<80xi32, #tpu.memory_space<vmem>>) target_semaphore(%arg11 : memref<!tpu.dma_semaphore, #tpu.memory_space<semaphore_mem>>)
    %scan3A_113 = arith.constant 0 : i32
    %scan3A_114 = arith.constant 0 : i32
    %scan3A_115 = arith.constant 62 : i32
    %scan3A_116 = arith.addi %scan3A_114, %scan3A_115 : i32
    %scan3A_117 = arith.constant 1 : i32
    %scan3A_118 = scf.for %scan3A_183 = %scan3A_114 to %scan3A_116 step %scan3A_117 iter_args(%scan3A_184 = %scan3A_113) -> (i32)  : i32 {
      %mul3A_185 = arith.constant 2 : i32
      %mul3A_186 = arith.muli %mul3A_185, %scan3A_183 : i32
      %add3A_187 = arith.constant 1 : i32
      %add3A_188 = arith.addi %mul3A_186, %add3A_187 : i32
      %dma_wait3A_189 = arith.constant 1 : i32
      %dma_wait3A_190 = arith.constant 0 : i32
      %dma_wait3A_191 = tpu.memref_slice %arg4[%dma_wait3A_189, %dma_wait3A_190] : memref<2x80xi32, #tpu.memory_space<vmem>> -> memref<1x80xi32, #tpu.memory_space<vmem>>
      %dma_wait3A_192 = tpu.memref_squeeze %dma_wait3A_191 : memref<1x80xi32, #tpu.memory_space<vmem>> -> memref<80xi32, #tpu.memory_space<vmem>>
      %dma_wait3A_193 = arith.constant 0 : i32
      %dma_wait3A_194 = tpu.memref_slice %arg2[%dma_wait3A_193] : memref<320000xi32, #tpu.memory_space<hbm>> -> memref<80xi32, #tpu.memory_space<hbm>>
      %dma_wait3A_195 = arith.constant 0 : i32
      %dma_wait3A_196 = tpu.memref_slice %arg4[%dma_wait3A_189, %dma_wait3A_195] : memref<2x80xi32, #tpu.memory_space<vmem>> -> memref<1x80xi32, #tpu.memory_space<vmem>>
      %dma_wait3A_197 = tpu.memref_squeeze %dma_wait3A_196 : memref<1x80xi32, #tpu.memory_space<vmem>> -> memref<80xi32, #tpu.memory_space<vmem>>
      %dma_wait3A_198 = arith.constant 0 : i32
      %dma_wait3A_199 = tpu.memref_slice %arg2[%dma_wait3A_198] : memref<320000xi32, #tpu.memory_space<hbm>> -> memref<80xi32, #tpu.memory_space<hbm>>
      tpu.wait_dma2 semaphore(%arg11 : memref<!tpu.dma_semaphore, #tpu.memory_space<semaphore_mem>>) src(%dma_wait3A_199 : memref<80xi32, #tpu.memory_space<hbm>>) dst(%dma_wait3A_197 : memref<80xi32, #tpu.memory_space<vmem>>)
      %dma_start3A_200 = arith.constant 1 : i32
      %dma_start3A_201 = arith.constant 0 : i32
      %dma_start3A_202 = tpu.memref_slice %arg4[%dma_start3A_200, %dma_start3A_201] : memref<2x80xi32, #tpu.memory_space<vmem>> -> memref<1x80xi32, #tpu.memory_space<vmem>>
      %dma_start3A_203 = tpu.memref_squeeze %dma_start3A_202 : memref<1x80xi32, #tpu.memory_space<vmem>> -> memref<80xi32, #tpu.memory_space<vmem>>
      %dma_start3A_204 = arith.constant 0 : i32
      %dma_start3A_205 = arith.constant 0 : i32
      %dma_start3A_206 = tpu.memref_slice %arg7[%dma_start3A_204, %dma_start3A_205] : memref<10000x128xf32, #tpu.memory_space<vmem_shared>> -> memref<10000x128xf32, #tpu.memory_space<vmem_shared>>
      tpu.enqueue_indirect_dma source(%arg5 : memref<80x128xf32, #tpu.memory_space<vmem>>) target(%dma_start3A_206 : memref<10000x128xf32, #tpu.memory_space<vmem_shared>>) offsets(%dma_start3A_203 : memref<80xi32, #tpu.memory_space<vmem>>) semaphore(%arg9 : memref<!tpu.dma_semaphore, #tpu.memory_space<semaphore_mem>>) {add = true}
      %dma_wait3A_207 = arith.constant 0 : i32
      %dma_wait3A_208 = arith.constant 0 : i32
      %dma_wait3A_209 = tpu.memref_slice %arg7[%dma_wait3A_207, %dma_wait3A_208] : memref<10000x128xf32, #tpu.memory_space<vmem_shared>> -> memref<80x128xf32, #tpu.memory_space<vmem_shared>>
      %dma_wait3A_210 = arith.constant 0 : i32
      %dma_wait3A_211 = arith.constant 0 : i32
      %dma_wait3A_212 = tpu.memref_slice %arg7[%dma_wait3A_210, %dma_wait3A_211] : memref<10000x128xf32, #tpu.memory_space<vmem_shared>> -> memref<80x128xf32, #tpu.memory_space<vmem_shared>>
      tpu.wait_dma2 semaphore(%arg8 : memref<!tpu.dma_semaphore, #tpu.memory_space<semaphore_mem>>) src(%arg5 : memref<80x128xf32, #tpu.memory_space<vmem>>) dst(%dma_wait3A_212 : memref<80x128xf32, #tpu.memory_space<vmem_shared>>)
      %add3A_213 = arith.constant 1 : i32
      %add3A_214 = arith.addi %add3A_188, %add3A_213 : i32
      %lt3A_215 = arith.constant 125 : i32
      %lt3A_216 = arith.cmpi slt, %add3A_214, %lt3A_215 : i32
      %convert_element_type3A_217 = arith.extui %lt3A_216 : i1 to i32
      %cond3A_218 = arith.constant 0 : i32
      %cond3A_219 = arith.cmpi ne, %convert_element_type3A_217, %cond3A_218 : i32
      scf.if %cond3A_219 {
        %add3A_234 = arith.constant 1 : i32
        %add3A_235 = arith.addi %add3A_188, %add3A_234 : i32
        %mul3A_236 = arith.constant 10000 : i32
        %mul3A_237 = arith.muli %add3A, %mul3A_236 : i32
        %mul3A_238 = arith.constant 80 : i32
        %mul3A_239 = arith.muli %add3A_235, %mul3A_238 : i32
        %add3A_240 = arith.addi %mul3A_237, %mul3A_239 : i32
        %multiple_of3A_241 = tpu.assume_multiple %add3A_240, 8 : i32
        %dma_start3A_242 = arith.constant 0 : i32
        %dma_start3A_243 = arith.constant 0 : i32
        %dma_start3A_244 = tpu.memref_slice %arg4[%dma_start3A_242, %dma_start3A_243] : memref<2x80xi32, #tpu.memory_space<vmem>> -> memref<1x80xi32, #tpu.memory_space<vmem>>
        %dma_start3A_245 = tpu.memref_squeeze %dma_start3A_244 : memref<1x80xi32, #tpu.memory_space<vmem>> -> memref<80xi32, #tpu.memory_space<vmem>>
        %dma_start3A_246 = tpu.memref_slice %arg2[%multiple_of3A_241] : memref<320000xi32, #tpu.memory_space<hbm>> -> memref<80xi32, #tpu.memory_space<hbm>>
        %dma_start3A_247 = arith.constant 0 : i32
        %dma_start3A_248 = tpu.memref_slice %arg4[%dma_start3A_242, %dma_start3A_247] : memref<2x80xi32, #tpu.memory_space<vmem>> -> memref<1x80xi32, #tpu.memory_space<vmem>>
        %dma_start3A_249 = tpu.memref_squeeze %dma_start3A_248 : memref<1x80xi32, #tpu.memory_space<vmem>> -> memref<80xi32, #tpu.memory_space<vmem>>
        %dma_start3A_250 = tpu.memref_slice %arg2[%multiple_of3A_241] : memref<320000xi32, #tpu.memory_space<hbm>> -> memref<80xi32, #tpu.memory_space<hbm>>
        tpu.enqueue_dma source(%dma_start3A_250 : memref<80xi32, #tpu.memory_space<hbm>>) target(%dma_start3A_249 : memref<80xi32, #tpu.memory_space<vmem>>) target_semaphore(%arg10 : memref<!tpu.dma_semaphore, #tpu.memory_space<semaphore_mem>>)
        %dma_wait3A_251 = arith.constant 0 : i32
        %dma_wait3A_252 = arith.constant 0 : i32
        %dma_wait3A_253 = tpu.memref_slice %arg4[%dma_wait3A_251, %dma_wait3A_252] : memref<2x80xi32, #tpu.memory_space<vmem>> -> memref<1x80xi32, #tpu.memory_space<vmem>>
        %dma_wait3A_254 = tpu.memref_squeeze %dma_wait3A_253 : memref<1x80xi32, #tpu.memory_space<vmem>> -> memref<80xi32, #tpu.memory_space<vmem>>
        %dma_wait3A_255 = arith.constant 0 : i32
        %dma_wait3A_256 = tpu.memref_slice %arg2[%dma_wait3A_255] : memref<320000xi32, #tpu.memory_space<hbm>> -> memref<80xi32, #tpu.memory_space<hbm>>
        %dma_wait3A_257 = arith.constant 0 : i32
        %dma_wait3A_258 = tpu.memref_slice %arg4[%dma_wait3A_251, %dma_wait3A_257] : memref<2x80xi32, #tpu.memory_space<vmem>> -> memref<1x80xi32, #tpu.memory_space<vmem>>
        %dma_wait3A_259 = tpu.memref_squeeze %dma_wait3A_258 : memref<1x80xi32, #tpu.memory_space<vmem>> -> memref<80xi32, #tpu.memory_space<vmem>>
        %dma_wait3A_260 = arith.constant 0 : i32
        %dma_wait3A_261 = tpu.memref_slice %arg2[%dma_wait3A_260] : memref<320000xi32, #tpu.memory_space<hbm>> -> memref<80xi32, #tpu.memory_space<hbm>>
        tpu.wait_dma2 semaphore(%arg10 : memref<!tpu.dma_semaphore, #tpu.memory_space<semaphore_mem>>) src(%dma_wait3A_261 : memref<80xi32, #tpu.memory_space<hbm>>) dst(%dma_wait3A_259 : memref<80xi32, #tpu.memory_space<vmem>>)
        %dma_start3A_262 = arith.constant 0 : i32
        %dma_start3A_263 = arith.constant 0 : i32
        %dma_start3A_264 = tpu.memref_slice %arg4[%dma_start3A_262, %dma_start3A_263] : memref<2x80xi32, #tpu.memory_space<vmem>> -> memref<1x80xi32, #tpu.memory_space<vmem>>
        %dma_start3A_265 = tpu.memref_squeeze %dma_start3A_264 : memref<1x80xi32, #tpu.memory_space<vmem>> -> memref<80xi32, #tpu.memory_space<vmem>>
        %dma_start3A_266 = arith.constant 0 : i32
        %dma_start3A_267 = arith.constant 0 : i32
        %dma_start3A_268 = tpu.memref_slice %arg7[%dma_start3A_266, %dma_start3A_267] : memref<10000x128xf32, #tpu.memory_space<vmem_shared>> -> memref<10000x128xf32, #tpu.memory_space<vmem_shared>>
        tpu.enqueue_indirect_dma source(%arg5 : memref<80x128xf32, #tpu.memory_space<vmem>>) target(%dma_start3A_268 : memref<10000x128xf32, #tpu.memory_space<vmem_shared>>) offsets(%dma_start3A_265 : memref<80xi32, #tpu.memory_space<vmem>>) semaphore(%arg8 : memref<!tpu.dma_semaphore, #tpu.memory_space<semaphore_mem>>) {add = true}
      } else {
      }
      %dma_wait3A_220 = arith.constant 0 : i32
      %dma_wait3A_221 = arith.constant 0 : i32
      %dma_wait3A_222 = tpu.memref_slice %arg7[%dma_wait3A_220, %dma_wait3A_221] : memref<10000x128xf32, #tpu.memory_space<vmem_shared>> -> memref<80x128xf32, #tpu.memory_space<vmem_shared>>
      %dma_wait3A_223 = arith.constant 0 : i32
      %dma_wait3A_224 = arith.constant 0 : i32
      %dma_wait3A_225 = tpu.memref_slice %arg7[%dma_wait3A_223, %dma_wait3A_224] : memref<10000x128xf32, #tpu.memory_space<vmem_shared>> -> memref<80x128xf32, #tpu.memory_space<vmem_shared>>
      tpu.wait_dma2 semaphore(%arg9 : memref<!tpu.dma_semaphore, #tpu.memory_space<semaphore_mem>>) src(%arg5 : memref<80x128xf32, #tpu.memory_space<vmem>>) dst(%dma_wait3A_225 : memref<80x128xf32, #tpu.memory_space<vmem_shared>>)
      %add3A_226 = arith.constant 2 : i32
      %add3A_227 = arith.addi %add3A_188, %add3A_226 : i32
      %lt3A_228 = arith.constant 125 : i32
      %lt3A_229 = arith.cmpi slt, %add3A_227, %lt3A_228 : i32
      %convert_element_type3A_230 = arith.extui %lt3A_229 : i1 to i32
      %cond3A_231 = arith.constant 0 : i32
      %cond3A_232 = arith.cmpi ne, %convert_element_type3A_230, %cond3A_231 : i32
      scf.if %cond3A_232 {
        %add3A_234 = arith.constant 2 : i32
        %add3A_235 = arith.addi %add3A_188, %add3A_234 : i32
        %mul3A_236 = arith.constant 10000 : i32
        %mul3A_237 = arith.muli %add3A, %mul3A_236 : i32
        %mul3A_238 = arith.constant 80 : i32
        %mul3A_239 = arith.muli %add3A_235, %mul3A_238 : i32
        %add3A_240 = arith.addi %mul3A_237, %mul3A_239 : i32
        %multiple_of3A_241 = tpu.assume_multiple %add3A_240, 8 : i32
        %dma_start3A_242 = arith.constant 1 : i32
        %dma_start3A_243 = arith.constant 0 : i32
        %dma_start3A_244 = tpu.memref_slice %arg4[%dma_start3A_242, %dma_start3A_243] : memref<2x80xi32, #tpu.memory_space<vmem>> -> memref<1x80xi32, #tpu.memory_space<vmem>>
        %dma_start3A_245 = tpu.memref_squeeze %dma_start3A_244 : memref<1x80xi32, #tpu.memory_space<vmem>> -> memref<80xi32, #tpu.memory_space<vmem>>
        %dma_start3A_246 = tpu.memref_slice %arg2[%multiple_of3A_241] : memref<320000xi32, #tpu.memory_space<hbm>> -> memref<80xi32, #tpu.memory_space<hbm>>
        %dma_start3A_247 = arith.constant 0 : i32
        %dma_start3A_248 = tpu.memref_slice %arg4[%dma_start3A_242, %dma_start3A_247] : memref<2x80xi32, #tpu.memory_space<vmem>> -> memref<1x80xi32, #tpu.memory_space<vmem>>
        %dma_start3A_249 = tpu.memref_squeeze %dma_start3A_248 : memref<1x80xi32, #tpu.memory_space<vmem>> -> memref<80xi32, #tpu.memory_space<vmem>>
        %dma_start3A_250 = tpu.memref_slice %arg2[%multiple_of3A_241] : memref<320000xi32, #tpu.memory_space<hbm>> -> memref<80xi32, #tpu.memory_space<hbm>>
        tpu.enqueue_dma source(%dma_start3A_250 : memref<80xi32, #tpu.memory_space<hbm>>) target(%dma_start3A_249 : memref<80xi32, #tpu.memory_space<vmem>>) target_semaphore(%arg11 : memref<!tpu.dma_semaphore, #tpu.memory_space<semaphore_mem>>)
      } else {
      }
      %scan3A_233 = arith.constant 0 : i32
      scf.yield %scan3A_233 : i32
    }
    %scan3A_119 = arith.constant 62 : i32
    %dma_wait3A_120 = arith.constant 0 : i32
    %dma_wait3A_121 = arith.constant 0 : i32
    %dma_wait3A_122 = tpu.memref_slice %arg7[%dma_wait3A_120, %dma_wait3A_121] : memref<10000x128xf32, #tpu.memory_space<vmem_shared>> -> memref<80x128xf32, #tpu.memory_space<vmem_shared>>
    %dma_wait3A_123 = arith.constant 0 : i32
    %dma_wait3A_124 = arith.constant 0 : i32
    %dma_wait3A_125 = tpu.memref_slice %arg7[%dma_wait3A_123, %dma_wait3A_124] : memref<10000x128xf32, #tpu.memory_space<vmem_shared>> -> memref<80x128xf32, #tpu.memory_space<vmem_shared>>
    tpu.wait_dma2 semaphore(%arg8 : memref<!tpu.dma_semaphore, #tpu.memory_space<semaphore_mem>>) src(%arg5 : memref<80x128xf32, #tpu.memory_space<vmem>>) dst(%dma_wait3A_125 : memref<80x128xf32, #tpu.memory_space<vmem_shared>>)
    %barrier3A_126 = arith.constant 0 : index
    tpu.barrier barrier_id(%barrier3A_126)
    %add3A_127 = arith.constant 0 : i32
    %add3A_128 = arith.addi %add3A_127, %arg1 : i32
    %lt3A_129 = arith.constant 125 : i32
    %lt3A_130 = arith.cmpi slt, %add3A_128, %lt3A_129 : i32
    %convert_element_type3A_131 = arith.extui %lt3A_130 : i1 to i32
    %cond3A_132 = arith.constant 0 : i32
    %cond3A_133 = arith.cmpi ne, %convert_element_type3A_131, %cond3A_132 : i32
    scf.if %cond3A_133 {
      %mul3A_183 = arith.constant 80 : i32
      %mul3A_184 = arith.muli %add3A_128, %mul3A_183 : i32
      %multiple_of3A_185 = tpu.assume_multiple %mul3A_184, 8 : i32
      "tpu.region"() ({
        %run_scoped3A = tpu.sem_alloc : memref<!tpu.dma_semaphore, #tpu.memory_space<semaphore_mem>>
        %dma_start3A_186 = arith.constant 0 : i32
        %dma_start3A_187 = tpu.memref_slice %arg7[%multiple_of3A_185, %dma_start3A_186] : memref<10000x128xf32, #tpu.memory_space<vmem_shared>> -> memref<80x128xf32, #tpu.memory_space<vmem_shared>>
        %dma_start3A_188 = arith.constant 0 : i32
        %dma_start3A_189 = tpu.memref_slice %arg7[%multiple_of3A_185, %dma_start3A_188] : memref<10000x128xf32, #tpu.memory_space<vmem_shared>> -> memref<80x128xf32, #tpu.memory_space<vmem_shared>>
        tpu.enqueue_dma source(%dma_start3A_189 : memref<80x128xf32, #tpu.memory_space<vmem_shared>>) target(%arg6 : memref<80x128xf32, #tpu.memory_space<vmem>>) target_semaphore(%run_scoped3A : memref<!tpu.dma_semaphore, #tpu.memory_space<semaphore_mem>>)
        %dma_wait3A_190 = arith.constant 0 : i32
        %dma_wait3A_191 = tpu.memref_slice %arg7[%multiple_of3A_185, %dma_wait3A_190] : memref<10000x128xf32, #tpu.memory_space<vmem_shared>> -> memref<80x128xf32, #tpu.memory_space<vmem_shared>>
        %dma_wait3A_192 = arith.constant 0 : i32
        %dma_wait3A_193 = tpu.memref_slice %arg7[%multiple_of3A_185, %dma_wait3A_192] : memref<10000x128xf32, #tpu.memory_space<vmem_shared>> -> memref<80x128xf32, #tpu.memory_space<vmem_shared>>
        tpu.wait_dma2 semaphore(%run_scoped3A : memref<!tpu.dma_semaphore, #tpu.memory_space<semaphore_mem>>) src(%dma_wait3A_193 : memref<80x128xf32, #tpu.memory_space<vmem_shared>>) dst(%arg6 : memref<80x128xf32, #tpu.memory_space<vmem>>)
        tpu.yield
      }) : () -> ()
      "tpu.region"() ({
        %run_scoped3A = tpu.sem_alloc : memref<!tpu.dma_semaphore, #tpu.memory_space<semaphore_mem>>
        %dma_start3A_186 = arith.constant 0 : i32
        %dma_start3A_187 = tpu.memref_slice %arg3[%arg0, %multiple_of3A_185, %dma_start3A_186] : memref<2x10000x128xf32, #tpu.memory_space<hbm>> -> memref<1x80x128xf32, #tpu.memory_space<hbm>>
        %dma_start3A_188 = tpu.memref_squeeze %dma_start3A_187 : memref<1x80x128xf32, #tpu.memory_space<hbm>> -> memref<80x128xf32, #tpu.memory_space<hbm>>
        %dma_start3A_189 = arith.constant 0 : i32
        %dma_start3A_190 = tpu.memref_slice %arg3[%arg0, %multiple_of3A_185, %dma_start3A_189] : memref<2x10000x128xf32, #tpu.memory_space<hbm>> -> memref<1x80x128xf32, #tpu.memory_space<hbm>>
        %dma_start3A_191 = tpu.memref_squeeze %dma_start3A_190 : memref<1x80x128xf32, #tpu.memory_space<hbm>> -> memref<80x128xf32, #tpu.memory_space<hbm>>
        tpu.enqueue_dma source(%arg6 : memref<80x128xf32, #tpu.memory_space<vmem>>) target(%dma_start3A_191 : memref<80x128xf32, #tpu.memory_space<hbm>>) target_semaphore(%run_scoped3A : memref<!tpu.dma_semaphore, #tpu.memory_space<semaphore_mem>>)
        %dma_wait3A_192 = arith.constant 0 : i32
        %dma_wait3A_193 = tpu.memref_slice %arg3[%arg0, %multiple_of3A_185, %dma_wait3A_192] : memref<2x10000x128xf32, #tpu.memory_space<hbm>> -> memref<1x80x128xf32, #tpu.memory_space<hbm>>
        %dma_wait3A_194 = tpu.memref_squeeze %dma_wait3A_193 : memref<1x80x128xf32, #tpu.memory_space<hbm>> -> memref<80x128xf32, #tpu.memory_space<hbm>>
        %dma_wait3A_195 = arith.constant 0 : i32
        %dma_wait3A_196 = tpu.memref_slice %arg3[%arg0, %multiple_of3A_185, %dma_wait3A_195] : memref<2x10000x128xf32, #tpu.memory_space<hbm>> -> memref<1x80x128xf32, #tpu.memory_space<hbm>>
        %dma_wait3A_197 = tpu.memref_squeeze %dma_wait3A_196 : memref<1x80x128xf32, #tpu.memory_space<hbm>> -> memref<80x128xf32, #tpu.memory_space<hbm>>
        tpu.wait_dma2 semaphore(%run_scoped3A : memref<!tpu.dma_semaphore, #tpu.memory_space<semaphore_mem>>) src(%arg6 : memref<80x128xf32, #tpu.memory_space<vmem>>) dst(%dma_wait3A_197 : memref<80x128xf32, #tpu.memory_space<hbm>>)
        tpu.yield
      }) : () -> ()
    } else {
    }
    %add3A_134 = arith.constant 16 : i32
    %add3A_135 = arith.addi %add3A_134, %arg1 : i32
    %lt3A_136 = arith.constant 125 : i32
    %lt3A_137 = arith.cmpi slt, %add3A_135, %lt3A_136 : i32
    %convert_element_type3A_138 = arith.extui %lt3A_137 : i1 to i32
    %cond3A_139 = arith.constant 0 : i32
    %cond3A_140 = arith.cmpi ne, %convert_element_type3A_138, %cond3A_139 : i32
    scf.if %cond3A_140 {
      %mul3A_183 = arith.constant 80 : i32
      %mul3A_184 = arith.muli %add3A_135, %mul3A_183 : i32
      %multiple_of3A_185 = tpu.assume_multiple %mul3A_184, 8 : i32
      "tpu.region"() ({
        %run_scoped3A = tpu.sem_alloc : memref<!tpu.dma_semaphore, #tpu.memory_space<semaphore_mem>>
        %dma_start3A_186 = arith.constant 0 : i32
        %dma_start3A_187 = tpu.memref_slice %arg7[%multiple_of3A_185, %dma_start3A_186] : memref<10000x128xf32, #tpu.memory_space<vmem_shared>> -> memref<80x128xf32, #tpu.memory_space<vmem_shared>>
        %dma_start3A_188 = arith.constant 0 : i32
        %dma_start3A_189 = tpu.memref_slice %arg7[%multiple_of3A_185, %dma_start3A_188] : memref<10000x128xf32, #tpu.memory_space<vmem_shared>> -> memref<80x128xf32, #tpu.memory_space<vmem_shared>>
        tpu.enqueue_dma source(%dma_start3A_189 : memref<80x128xf32, #tpu.memory_space<vmem_shared>>) target(%arg6 : memref<80x128xf32, #tpu.memory_space<vmem>>) target_semaphore(%run_scoped3A : memref<!tpu.dma_semaphore, #tpu.memory_space<semaphore_mem>>)
        %dma_wait3A_190 = arith.constant 0 : i32
        %dma_wait3A_191 = tpu.memref_slice %arg7[%multiple_of3A_185, %dma_wait3A_190] : memref<10000x128xf32, #tpu.memory_space<vmem_shared>> -> memref<80x128xf32, #tpu.memory_space<vmem_shared>>
        %dma_wait3A_192 = arith.constant 0 : i32
        %dma_wait3A_193 = tpu.memref_slice %arg7[%multiple_of3A_185, %dma_wait3A_192] : memref<10000x128xf32, #tpu.memory_space<vmem_shared>> -> memref<80x128xf32, #tpu.memory_space<vmem_shared>>
        tpu.wait_dma2 semaphore(%run_scoped3A : memref<!tpu.dma_semaphore, #tpu.memory_space<semaphore_mem>>) src(%dma_wait3A_193 : memref<80x128xf32, #tpu.memory_space<vmem_shared>>) dst(%arg6 : memref<80x128xf32, #tpu.memory_space<vmem>>)
        tpu.yield
      }) : () -> ()
      "tpu.region"() ({
        %run_scoped3A = tpu.sem_alloc : memref<!tpu.dma_semaphore, #tpu.memory_space<semaphore_mem>>
        %dma_start3A_186 = arith.constant 0 : i32
        %dma_start3A_187 = tpu.memref_slice %arg3[%arg0, %multiple_of3A_185, %dma_start3A_186] : memref<2x10000x128xf32, #tpu.memory_space<hbm>> -> memref<1x80x128xf32, #tpu.memory_space<hbm>>
        %dma_start3A_188 = tpu.memref_squeeze %dma_start3A_187 : memref<1x80x128xf32, #tpu.memory_space<hbm>> -> memref<80x128xf32, #tpu.memory_space<hbm>>
        %dma_start3A_189 = arith.constant 0 : i32
        %dma_start3A_190 = tpu.memref_slice %arg3[%arg0, %multiple_of3A_185, %dma_start3A_189] : memref<2x10000x128xf32, #tpu.memory_space<hbm>> -> memref<1x80x128xf32, #tpu.memory_space<hbm>>
        %dma_start3A_191 = tpu.memref_squeeze %dma_start3A_190 : memref<1x80x128xf32, #tpu.memory_space<hbm>> -> memref<80x128xf32, #tpu.memory_space<hbm>>
        tpu.enqueue_dma source(%arg6 : memref<80x128xf32, #tpu.memory_space<vmem>>) target(%dma_start3A_191 : memref<80x128xf32, #tpu.memory_space<hbm>>) target_semaphore(%run_scoped3A : memref<!tpu.dma_semaphore, #tpu.memory_space<semaphore_mem>>)
        %dma_wait3A_192 = arith.constant 0 : i32
        %dma_wait3A_193 = tpu.memref_slice %arg3[%arg0, %multiple_of3A_185, %dma_wait3A_192] : memref<2x10000x128xf32, #tpu.memory_space<hbm>> -> memref<1x80x128xf32, #tpu.memory_space<hbm>>
        %dma_wait3A_194 = tpu.memref_squeeze %dma_wait3A_193 : memref<1x80x128xf32, #tpu.memory_space<hbm>> -> memref<80x128xf32, #tpu.memory_space<hbm>>
        %dma_wait3A_195 = arith.constant 0 : i32
        %dma_wait3A_196 = tpu.memref_slice %arg3[%arg0, %multiple_of3A_185, %dma_wait3A_195] : memref<2x10000x128xf32, #tpu.memory_space<hbm>> -> memref<1x80x128xf32, #tpu.memory_space<hbm>>
        %dma_wait3A_197 = tpu.memref_squeeze %dma_wait3A_196 : memref<1x80x128xf32, #tpu.memory_space<hbm>> -> memref<80x128xf32, #tpu.memory_space<hbm>>
        tpu.wait_dma2 semaphore(%run_scoped3A : memref<!tpu.dma_semaphore, #tpu.memory_space<semaphore_mem>>) src(%arg6 : memref<80x128xf32, #tpu.memory_space<vmem>>) dst(%dma_wait3A_197 : memref<80x128xf32, #tpu.memory_space<hbm>>)
        tpu.yield
      }) : () -> ()
    } else {
    }
    %add3A_141 = arith.constant 32 : i32
    %add3A_142 = arith.addi %add3A_141, %arg1 : i32
    %lt3A_143 = arith.constant 125 : i32
    %lt3A_144 = arith.cmpi slt, %add3A_142, %lt3A_143 : i32
    %convert_element_type3A_145 = arith.extui %lt3A_144 : i1 to i32
    %cond3A_146 = arith.constant 0 : i32
    %cond3A_147 = arith.cmpi ne, %convert_element_type3A_145, %cond3A_146 : i32
    scf.if %cond3A_147 {
      %mul3A_183 = arith.constant 80 : i32
      %mul3A_184 = arith.muli %add3A_142, %mul3A_183 : i32
      %multiple_of3A_185 = tpu.assume_multiple %mul3A_184, 8 : i32
      "tpu.region"() ({
        %run_scoped3A = tpu.sem_alloc : memref<!tpu.dma_semaphore, #tpu.memory_space<semaphore_mem>>
        %dma_start3A_186 = arith.constant 0 : i32
        %dma_start3A_187 = tpu.memref_slice %arg7[%multiple_of3A_185, %dma_start3A_186] : memref<10000x128xf32, #tpu.memory_space<vmem_shared>> -> memref<80x128xf32, #tpu.memory_space<vmem_shared>>
        %dma_start3A_188 = arith.constant 0 : i32
        %dma_start3A_189 = tpu.memref_slice %arg7[%multiple_of3A_185, %dma_start3A_188] : memref<10000x128xf32, #tpu.memory_space<vmem_shared>> -> memref<80x128xf32, #tpu.memory_space<vmem_shared>>
        tpu.enqueue_dma source(%dma_start3A_189 : memref<80x128xf32, #tpu.memory_space<vmem_shared>>) target(%arg6 : memref<80x128xf32, #tpu.memory_space<vmem>>) target_semaphore(%run_scoped3A : memref<!tpu.dma_semaphore, #tpu.memory_space<semaphore_mem>>)
        %dma_wait3A_190 = arith.constant 0 : i32
        %dma_wait3A_191 = tpu.memref_slice %arg7[%multiple_of3A_185, %dma_wait3A_190] : memref<10000x128xf32, #tpu.memory_space<vmem_shared>> -> memref<80x128xf32, #tpu.memory_space<vmem_shared>>
        %dma_wait3A_192 = arith.constant 0 : i32
        %dma_wait3A_193 = tpu.memref_slice %arg7[%multiple_of3A_185, %dma_wait3A_192] : memref<10000x128xf32, #tpu.memory_space<vmem_shared>> -> memref<80x128xf32, #tpu.memory_space<vmem_shared>>
        tpu.wait_dma2 semaphore(%run_scoped3A : memref<!tpu.dma_semaphore, #tpu.memory_space<semaphore_mem>>) src(%dma_wait3A_193 : memref<80x128xf32, #tpu.memory_space<vmem_shared>>) dst(%arg6 : memref<80x128xf32, #tpu.memory_space<vmem>>)
        tpu.yield
      }) : () -> ()
      "tpu.region"() ({
        %run_scoped3A = tpu.sem_alloc : memref<!tpu.dma_semaphore, #tpu.memory_space<semaphore_mem>>
        %dma_start3A_186 = arith.constant 0 : i32
        %dma_start3A_187 = tpu.memref_slice %arg3[%arg0, %multiple_of3A_185, %dma_start3A_186] : memref<2x10000x128xf32, #tpu.memory_space<hbm>> -> memref<1x80x128xf32, #tpu.memory_space<hbm>>
        %dma_start3A_188 = tpu.memref_squeeze %dma_start3A_187 : memref<1x80x128xf32, #tpu.memory_space<hbm>> -> memref<80x128xf32, #tpu.memory_space<hbm>>
        %dma_start3A_189 = arith.constant 0 : i32
        %dma_start3A_190 = tpu.memref_slice %arg3[%arg0, %multiple_of3A_185, %dma_start3A_189] : memref<2x10000x128xf32, #tpu.memory_space<hbm>> -> memref<1x80x128xf32, #tpu.memory_space<hbm>>
        %dma_start3A_191 = tpu.memref_squeeze %dma_start3A_190 : memref<1x80x128xf32, #tpu.memory_space<hbm>> -> memref<80x128xf32, #tpu.memory_space<hbm>>
        tpu.enqueue_dma source(%arg6 : memref<80x128xf32, #tpu.memory_space<vmem>>) target(%dma_start3A_191 : memref<80x128xf32, #tpu.memory_space<hbm>>) target_semaphore(%run_scoped3A : memref<!tpu.dma_semaphore, #tpu.memory_space<semaphore_mem>>)
        %dma_wait3A_192 = arith.constant 0 : i32
        %dma_wait3A_193 = tpu.memref_slice %arg3[%arg0, %multiple_of3A_185, %dma_wait3A_192] : memref<2x10000x128xf32, #tpu.memory_space<hbm>> -> memref<1x80x128xf32, #tpu.memory_space<hbm>>
        %dma_wait3A_194 = tpu.memref_squeeze %dma_wait3A_193 : memref<1x80x128xf32, #tpu.memory_space<hbm>> -> memref<80x128xf32, #tpu.memory_space<hbm>>
        %dma_wait3A_195 = arith.constant 0 : i32
        %dma_wait3A_196 = tpu.memref_slice %arg3[%arg0, %multiple_of3A_185, %dma_wait3A_195] : memref<2x10000x128xf32, #tpu.memory_space<hbm>> -> memref<1x80x128xf32, #tpu.memory_space<hbm>>
        %dma_wait3A_197 = tpu.memref_squeeze %dma_wait3A_196 : memref<1x80x128xf32, #tpu.memory_space<hbm>> -> memref<80x128xf32, #tpu.memory_space<hbm>>
        tpu.wait_dma2 semaphore(%run_scoped3A : memref<!tpu.dma_semaphore, #tpu.memory_space<semaphore_mem>>) src(%arg6 : memref<80x128xf32, #tpu.memory_space<vmem>>) dst(%dma_wait3A_197 : memref<80x128xf32, #tpu.memory_space<hbm>>)
        tpu.yield
      }) : () -> ()
    } else {
    }
    %add3A_148 = arith.constant 48 : i32
    %add3A_149 = arith.addi %add3A_148, %arg1 : i32
    %lt3A_150 = arith.constant 125 : i32
    %lt3A_151 = arith.cmpi slt, %add3A_149, %lt3A_150 : i32
    %convert_element_type3A_152 = arith.extui %lt3A_151 : i1 to i32
    %cond3A_153 = arith.constant 0 : i32
    %cond3A_154 = arith.cmpi ne, %convert_element_type3A_152, %cond3A_153 : i32
    scf.if %cond3A_154 {
      %mul3A_183 = arith.constant 80 : i32
      %mul3A_184 = arith.muli %add3A_149, %mul3A_183 : i32
      %multiple_of3A_185 = tpu.assume_multiple %mul3A_184, 8 : i32
      "tpu.region"() ({
        %run_scoped3A = tpu.sem_alloc : memref<!tpu.dma_semaphore, #tpu.memory_space<semaphore_mem>>
        %dma_start3A_186 = arith.constant 0 : i32
        %dma_start3A_187 = tpu.memref_slice %arg7[%multiple_of3A_185, %dma_start3A_186] : memref<10000x128xf32, #tpu.memory_space<vmem_shared>> -> memref<80x128xf32, #tpu.memory_space<vmem_shared>>
        %dma_start3A_188 = arith.constant 0 : i32
        %dma_start3A_189 = tpu.memref_slice %arg7[%multiple_of3A_185, %dma_start3A_188] : memref<10000x128xf32, #tpu.memory_space<vmem_shared>> -> memref<80x128xf32, #tpu.memory_space<vmem_shared>>
        tpu.enqueue_dma source(%dma_start3A_189 : memref<80x128xf32, #tpu.memory_space<vmem_shared>>) target(%arg6 : memref<80x128xf32, #tpu.memory_space<vmem>>) target_semaphore(%run_scoped3A : memref<!tpu.dma_semaphore, #tpu.memory_space<semaphore_mem>>)
        %dma_wait3A_190 = arith.constant 0 : i32
        %dma_wait3A_191 = tpu.memref_slice %arg7[%multiple_of3A_185, %dma_wait3A_190] : memref<10000x128xf32, #tpu.memory_space<vmem_shared>> -> memref<80x128xf32, #tpu.memory_space<vmem_shared>>
        %dma_wait3A_192 = arith.constant 0 : i32
        %dma_wait3A_193 = tpu.memref_slice %arg7[%multiple_of3A_185, %dma_wait3A_192] : memref<10000x128xf32, #tpu.memory_space<vmem_shared>> -> memref<80x128xf32, #tpu.memory_space<vmem_shared>>
        tpu.wait_dma2 semaphore(%run_scoped3A : memref<!tpu.dma_semaphore, #tpu.memory_space<semaphore_mem>>) src(%dma_wait3A_193 : memref<80x128xf32, #tpu.memory_space<vmem_shared>>) dst(%arg6 : memref<80x128xf32, #tpu.memory_space<vmem>>)
        tpu.yield
      }) : () -> ()
      "tpu.region"() ({
        %run_scoped3A = tpu.sem_alloc : memref<!tpu.dma_semaphore, #tpu.memory_space<semaphore_mem>>
        %dma_start3A_186 = arith.constant 0 : i32
        %dma_start3A_187 = tpu.memref_slice %arg3[%arg0, %multiple_of3A_185, %dma_start3A_186] : memref<2x10000x128xf32, #tpu.memory_space<hbm>> -> memref<1x80x128xf32, #tpu.memory_space<hbm>>
        %dma_start3A_188 = tpu.memref_squeeze %dma_start3A_187 : memref<1x80x128xf32, #tpu.memory_space<hbm>> -> memref<80x128xf32, #tpu.memory_space<hbm>>
        %dma_start3A_189 = arith.constant 0 : i32
        %dma_start3A_190 = tpu.memref_slice %arg3[%arg0, %multiple_of3A_185, %dma_start3A_189] : memref<2x10000x128xf32, #tpu.memory_space<hbm>> -> memref<1x80x128xf32, #tpu.memory_space<hbm>>
        %dma_start3A_191 = tpu.memref_squeeze %dma_start3A_190 : memref<1x80x128xf32, #tpu.memory_space<hbm>> -> memref<80x128xf32, #tpu.memory_space<hbm>>
        tpu.enqueue_dma source(%arg6 : memref<80x128xf32, #tpu.memory_space<vmem>>) target(%dma_start3A_191 : memref<80x128xf32, #tpu.memory_space<hbm>>) target_semaphore(%run_scoped3A : memref<!tpu.dma_semaphore, #tpu.memory_space<semaphore_mem>>)
        %dma_wait3A_192 = arith.constant 0 : i32
        %dma_wait3A_193 = tpu.memref_slice %arg3[%arg0, %multiple_of3A_185, %dma_wait3A_192] : memref<2x10000x128xf32, #tpu.memory_space<hbm>> -> memref<1x80x128xf32, #tpu.memory_space<hbm>>
        %dma_wait3A_194 = tpu.memref_squeeze %dma_wait3A_193 : memref<1x80x128xf32, #tpu.memory_space<hbm>> -> memref<80x128xf32, #tpu.memory_space<hbm>>
        %dma_wait3A_195 = arith.constant 0 : i32
        %dma_wait3A_196 = tpu.memref_slice %arg3[%arg0, %multiple_of3A_185, %dma_wait3A_195] : memref<2x10000x128xf32, #tpu.memory_space<hbm>> -> memref<1x80x128xf32, #tpu.memory_space<hbm>>
        %dma_wait3A_197 = tpu.memref_squeeze %dma_wait3A_196 : memref<1x80x128xf32, #tpu.memory_space<hbm>> -> memref<80x128xf32, #tpu.memory_space<hbm>>
        tpu.wait_dma2 semaphore(%run_scoped3A : memref<!tpu.dma_semaphore, #tpu.memory_space<semaphore_mem>>) src(%arg6 : memref<80x128xf32, #tpu.memory_space<vmem>>) dst(%dma_wait3A_197 : memref<80x128xf32, #tpu.memory_space<hbm>>)
        tpu.yield
      }) : () -> ()
    } else {
    }
    %add3A_155 = arith.constant 64 : i32
    %add3A_156 = arith.addi %add3A_155, %arg1 : i32
    %lt3A_157 = arith.constant 125 : i32
    %lt3A_158 = arith.cmpi slt, %add3A_156, %lt3A_157 : i32
    %convert_element_type3A_159 = arith.extui %lt3A_158 : i1 to i32
    %cond3A_160 = arith.constant 0 : i32
    %cond3A_161 = arith.cmpi ne, %convert_element_type3A_159, %cond3A_160 : i32
    scf.if %cond3A_161 {
      %mul3A_183 = arith.constant 80 : i32
      %mul3A_184 = arith.muli %add3A_156, %mul3A_183 : i32
      %multiple_of3A_185 = tpu.assume_multiple %mul3A_184, 8 : i32
      "tpu.region"() ({
        %run_scoped3A = tpu.sem_alloc : memref<!tpu.dma_semaphore, #tpu.memory_space<semaphore_mem>>
        %dma_start3A_186 = arith.constant 0 : i32
        %dma_start3A_187 = tpu.memref_slice %arg7[%multiple_of3A_185, %dma_start3A_186] : memref<10000x128xf32, #tpu.memory_space<vmem_shared>> -> memref<80x128xf32, #tpu.memory_space<vmem_shared>>
        %dma_start3A_188 = arith.constant 0 : i32
        %dma_start3A_189 = tpu.memref_slice %arg7[%multiple_of3A_185, %dma_start3A_188] : memref<10000x128xf32, #tpu.memory_space<vmem_shared>> -> memref<80x128xf32, #tpu.memory_space<vmem_shared>>
        tpu.enqueue_dma source(%dma_start3A_189 : memref<80x128xf32, #tpu.memory_space<vmem_shared>>) target(%arg6 : memref<80x128xf32, #tpu.memory_space<vmem>>) target_semaphore(%run_scoped3A : memref<!tpu.dma_semaphore, #tpu.memory_space<semaphore_mem>>)
        %dma_wait3A_190 = arith.constant 0 : i32
        %dma_wait3A_191 = tpu.memref_slice %arg7[%multiple_of3A_185, %dma_wait3A_190] : memref<10000x128xf32, #tpu.memory_space<vmem_shared>> -> memref<80x128xf32, #tpu.memory_space<vmem_shared>>
        %dma_wait3A_192 = arith.constant 0 : i32
        %dma_wait3A_193 = tpu.memref_slice %arg7[%multiple_of3A_185, %dma_wait3A_192] : memref<10000x128xf32, #tpu.memory_space<vmem_shared>> -> memref<80x128xf32, #tpu.memory_space<vmem_shared>>
        tpu.wait_dma2 semaphore(%run_scoped3A : memref<!tpu.dma_semaphore, #tpu.memory_space<semaphore_mem>>) src(%dma_wait3A_193 : memref<80x128xf32, #tpu.memory_space<vmem_shared>>) dst(%arg6 : memref<80x128xf32, #tpu.memory_space<vmem>>)
        tpu.yield
      }) : () -> ()
      "tpu.region"() ({
        %run_scoped3A = tpu.sem_alloc : memref<!tpu.dma_semaphore, #tpu.memory_space<semaphore_mem>>
        %dma_start3A_186 = arith.constant 0 : i32
        %dma_start3A_187 = tpu.memref_slice %arg3[%arg0, %multiple_of3A_185, %dma_start3A_186] : memref<2x10000x128xf32, #tpu.memory_space<hbm>> -> memref<1x80x128xf32, #tpu.memory_space<hbm>>
        %dma_start3A_188 = tpu.memref_squeeze %dma_start3A_187 : memref<1x80x128xf32, #tpu.memory_space<hbm>> -> memref<80x128xf32, #tpu.memory_space<hbm>>
        %dma_start3A_189 = arith.constant 0 : i32
        %dma_start3A_190 = tpu.memref_slice %arg3[%arg0, %multiple_of3A_185, %dma_start3A_189] : memref<2x10000x128xf32, #tpu.memory_space<hbm>> -> memref<1x80x128xf32, #tpu.memory_space<hbm>>
        %dma_start3A_191 = tpu.memref_squeeze %dma_start3A_190 : memref<1x80x128xf32, #tpu.memory_space<hbm>> -> memref<80x128xf32, #tpu.memory_space<hbm>>
        tpu.enqueue_dma source(%arg6 : memref<80x128xf32, #tpu.memory_space<vmem>>) target(%dma_start3A_191 : memref<80x128xf32, #tpu.memory_space<hbm>>) target_semaphore(%run_scoped3A : memref<!tpu.dma_semaphore, #tpu.memory_space<semaphore_mem>>)
        %dma_wait3A_192 = arith.constant 0 : i32
        %dma_wait3A_193 = tpu.memref_slice %arg3[%arg0, %multiple_of3A_185, %dma_wait3A_192] : memref<2x10000x128xf32, #tpu.memory_space<hbm>> -> memref<1x80x128xf32, #tpu.memory_space<hbm>>
        %dma_wait3A_194 = tpu.memref_squeeze %dma_wait3A_193 : memref<1x80x128xf32, #tpu.memory_space<hbm>> -> memref<80x128xf32, #tpu.memory_space<hbm>>
        %dma_wait3A_195 = arith.constant 0 : i32
        %dma_wait3A_196 = tpu.memref_slice %arg3[%arg0, %multiple_of3A_185, %dma_wait3A_195] : memref<2x10000x128xf32, #tpu.memory_space<hbm>> -> memref<1x80x128xf32, #tpu.memory_space<hbm>>
        %dma_wait3A_197 = tpu.memref_squeeze %dma_wait3A_196 : memref<1x80x128xf32, #tpu.memory_space<hbm>> -> memref<80x128xf32, #tpu.memory_space<hbm>>
        tpu.wait_dma2 semaphore(%run_scoped3A : memref<!tpu.dma_semaphore, #tpu.memory_space<semaphore_mem>>) src(%arg6 : memref<80x128xf32, #tpu.memory_space<vmem>>) dst(%dma_wait3A_197 : memref<80x128xf32, #tpu.memory_space<hbm>>)
        tpu.yield
      }) : () -> ()
    } else {
    }
    %add3A_162 = arith.constant 80 : i32
    %add3A_163 = arith.addi %add3A_162, %arg1 : i32
    %lt3A_164 = arith.constant 125 : i32
    %lt3A_165 = arith.cmpi slt, %add3A_163, %lt3A_164 : i32
    %convert_element_type3A_166 = arith.extui %lt3A_165 : i1 to i32
    %cond3A_167 = arith.constant 0 : i32
    %cond3A_168 = arith.cmpi ne, %convert_element_type3A_166, %cond3A_167 : i32
    scf.if %cond3A_168 {
      %mul3A_183 = arith.constant 80 : i32
      %mul3A_184 = arith.muli %add3A_163, %mul3A_183 : i32
      %multiple_of3A_185 = tpu.assume_multiple %mul3A_184, 8 : i32
      "tpu.region"() ({
        %run_scoped3A = tpu.sem_alloc : memref<!tpu.dma_semaphore, #tpu.memory_space<semaphore_mem>>
        %dma_start3A_186 = arith.constant 0 : i32
        %dma_start3A_187 = tpu.memref_slice %arg7[%multiple_of3A_185, %dma_start3A_186] : memref<10000x128xf32, #tpu.memory_space<vmem_shared>> -> memref<80x128xf32, #tpu.memory_space<vmem_shared>>
        %dma_start3A_188 = arith.constant 0 : i32
        %dma_start3A_189 = tpu.memref_slice %arg7[%multiple_of3A_185, %dma_start3A_188] : memref<10000x128xf32, #tpu.memory_space<vmem_shared>> -> memref<80x128xf32, #tpu.memory_space<vmem_shared>>
        tpu.enqueue_dma source(%dma_start3A_189 : memref<80x128xf32, #tpu.memory_space<vmem_shared>>) target(%arg6 : memref<80x128xf32, #tpu.memory_space<vmem>>) target_semaphore(%run_scoped3A : memref<!tpu.dma_semaphore, #tpu.memory_space<semaphore_mem>>)
        %dma_wait3A_190 = arith.constant 0 : i32
        %dma_wait3A_191 = tpu.memref_slice %arg7[%multiple_of3A_185, %dma_wait3A_190] : memref<10000x128xf32, #tpu.memory_space<vmem_shared>> -> memref<80x128xf32, #tpu.memory_space<vmem_shared>>
        %dma_wait3A_192 = arith.constant 0 : i32
        %dma_wait3A_193 = tpu.memref_slice %arg7[%multiple_of3A_185, %dma_wait3A_192] : memref<10000x128xf32, #tpu.memory_space<vmem_shared>> -> memref<80x128xf32, #tpu.memory_space<vmem_shared>>
        tpu.wait_dma2 semaphore(%run_scoped3A : memref<!tpu.dma_semaphore, #tpu.memory_space<semaphore_mem>>) src(%dma_wait3A_193 : memref<80x128xf32, #tpu.memory_space<vmem_shared>>) dst(%arg6 : memref<80x128xf32, #tpu.memory_space<vmem>>)
        tpu.yield
      }) : () -> ()
      "tpu.region"() ({
        %run_scoped3A = tpu.sem_alloc : memref<!tpu.dma_semaphore, #tpu.memory_space<semaphore_mem>>
        %dma_start3A_186 = arith.constant 0 : i32
        %dma_start3A_187 = tpu.memref_slice %arg3[%arg0, %multiple_of3A_185, %dma_start3A_186] : memref<2x10000x128xf32, #tpu.memory_space<hbm>> -> memref<1x80x128xf32, #tpu.memory_space<hbm>>
        %dma_start3A_188 = tpu.memref_squeeze %dma_start3A_187 : memref<1x80x128xf32, #tpu.memory_space<hbm>> -> memref<80x128xf32, #tpu.memory_space<hbm>>
        %dma_start3A_189 = arith.constant 0 : i32
        %dma_start3A_190 = tpu.memref_slice %arg3[%arg0, %multiple_of3A_185, %dma_start3A_189] : memref<2x10000x128xf32, #tpu.memory_space<hbm>> -> memref<1x80x128xf32, #tpu.memory_space<hbm>>
        %dma_start3A_191 = tpu.memref_squeeze %dma_start3A_190 : memref<1x80x128xf32, #tpu.memory_space<hbm>> -> memref<80x128xf32, #tpu.memory_space<hbm>>
        tpu.enqueue_dma source(%arg6 : memref<80x128xf32, #tpu.memory_space<vmem>>) target(%dma_start3A_191 : memref<80x128xf32, #tpu.memory_space<hbm>>) target_semaphore(%run_scoped3A : memref<!tpu.dma_semaphore, #tpu.memory_space<semaphore_mem>>)
        %dma_wait3A_192 = arith.constant 0 : i32
        %dma_wait3A_193 = tpu.memref_slice %arg3[%arg0, %multiple_of3A_185, %dma_wait3A_192] : memref<2x10000x128xf32, #tpu.memory_space<hbm>> -> memref<1x80x128xf32, #tpu.memory_space<hbm>>
        %dma_wait3A_194 = tpu.memref_squeeze %dma_wait3A_193 : memref<1x80x128xf32, #tpu.memory_space<hbm>> -> memref<80x128xf32, #tpu.memory_space<hbm>>
        %dma_wait3A_195 = arith.constant 0 : i32
        %dma_wait3A_196 = tpu.memref_slice %arg3[%arg0, %multiple_of3A_185, %dma_wait3A_195] : memref<2x10000x128xf32, #tpu.memory_space<hbm>> -> memref<1x80x128xf32, #tpu.memory_space<hbm>>
        %dma_wait3A_197 = tpu.memref_squeeze %dma_wait3A_196 : memref<1x80x128xf32, #tpu.memory_space<hbm>> -> memref<80x128xf32, #tpu.memory_space<hbm>>
        tpu.wait_dma2 semaphore(%run_scoped3A : memref<!tpu.dma_semaphore, #tpu.memory_space<semaphore_mem>>) src(%arg6 : memref<80x128xf32, #tpu.memory_space<vmem>>) dst(%dma_wait3A_197 : memref<80x128xf32, #tpu.memory_space<hbm>>)
        tpu.yield
      }) : () -> ()
    } else {
    }
    %add3A_169 = arith.constant 96 : i32
    %add3A_170 = arith.addi %add3A_169, %arg1 : i32
    %lt3A_171 = arith.constant 125 : i32
    %lt3A_172 = arith.cmpi slt, %add3A_170, %lt3A_171 : i32
    %convert_element_type3A_173 = arith.extui %lt3A_172 : i1 to i32
    %cond3A_174 = arith.constant 0 : i32
    %cond3A_175 = arith.cmpi ne, %convert_element_type3A_173, %cond3A_174 : i32
    scf.if %cond3A_175 {
      %mul3A_183 = arith.constant 80 : i32
      %mul3A_184 = arith.muli %add3A_170, %mul3A_183 : i32
      %multiple_of3A_185 = tpu.assume_multiple %mul3A_184, 8 : i32
      "tpu.region"() ({
        %run_scoped3A = tpu.sem_alloc : memref<!tpu.dma_semaphore, #tpu.memory_space<semaphore_mem>>
        %dma_start3A_186 = arith.constant 0 : i32
        %dma_start3A_187 = tpu.memref_slice %arg7[%multiple_of3A_185, %dma_start3A_186] : memref<10000x128xf32, #tpu.memory_space<vmem_shared>> -> memref<80x128xf32, #tpu.memory_space<vmem_shared>>
        %dma_start3A_188 = arith.constant 0 : i32
        %dma_start3A_189 = tpu.memref_slice %arg7[%multiple_of3A_185, %dma_start3A_188] : memref<10000x128xf32, #tpu.memory_space<vmem_shared>> -> memref<80x128xf32, #tpu.memory_space<vmem_shared>>
        tpu.enqueue_dma source(%dma_start3A_189 : memref<80x128xf32, #tpu.memory_space<vmem_shared>>) target(%arg6 : memref<80x128xf32, #tpu.memory_space<vmem>>) target_semaphore(%run_scoped3A : memref<!tpu.dma_semaphore, #tpu.memory_space<semaphore_mem>>)
        %dma_wait3A_190 = arith.constant 0 : i32
        %dma_wait3A_191 = tpu.memref_slice %arg7[%multiple_of3A_185, %dma_wait3A_190] : memref<10000x128xf32, #tpu.memory_space<vmem_shared>> -> memref<80x128xf32, #tpu.memory_space<vmem_shared>>
        %dma_wait3A_192 = arith.constant 0 : i32
        %dma_wait3A_193 = tpu.memref_slice %arg7[%multiple_of3A_185, %dma_wait3A_192] : memref<10000x128xf32, #tpu.memory_space<vmem_shared>> -> memref<80x128xf32, #tpu.memory_space<vmem_shared>>
        tpu.wait_dma2 semaphore(%run_scoped3A : memref<!tpu.dma_semaphore, #tpu.memory_space<semaphore_mem>>) src(%dma_wait3A_193 : memref<80x128xf32, #tpu.memory_space<vmem_shared>>) dst(%arg6 : memref<80x128xf32, #tpu.memory_space<vmem>>)
        tpu.yield
      }) : () -> ()
      "tpu.region"() ({
        %run_scoped3A = tpu.sem_alloc : memref<!tpu.dma_semaphore, #tpu.memory_space<semaphore_mem>>
        %dma_start3A_186 = arith.constant 0 : i32
        %dma_start3A_187 = tpu.memref_slice %arg3[%arg0, %multiple_of3A_185, %dma_start3A_186] : memref<2x10000x128xf32, #tpu.memory_space<hbm>> -> memref<1x80x128xf32, #tpu.memory_space<hbm>>
        %dma_start3A_188 = tpu.memref_squeeze %dma_start3A_187 : memref<1x80x128xf32, #tpu.memory_space<hbm>> -> memref<80x128xf32, #tpu.memory_space<hbm>>
        %dma_start3A_189 = arith.constant 0 : i32
        %dma_start3A_190 = tpu.memref_slice %arg3[%arg0, %multiple_of3A_185, %dma_start3A_189] : memref<2x10000x128xf32, #tpu.memory_space<hbm>> -> memref<1x80x128xf32, #tpu.memory_space<hbm>>
        %dma_start3A_191 = tpu.memref_squeeze %dma_start3A_190 : memref<1x80x128xf32, #tpu.memory_space<hbm>> -> memref<80x128xf32, #tpu.memory_space<hbm>>
        tpu.enqueue_dma source(%arg6 : memref<80x128xf32, #tpu.memory_space<vmem>>) target(%dma_start3A_191 : memref<80x128xf32, #tpu.memory_space<hbm>>) target_semaphore(%run_scoped3A : memref<!tpu.dma_semaphore, #tpu.memory_space<semaphore_mem>>)
        %dma_wait3A_192 = arith.constant 0 : i32
        %dma_wait3A_193 = tpu.memref_slice %arg3[%arg0, %multiple_of3A_185, %dma_wait3A_192] : memref<2x10000x128xf32, #tpu.memory_space<hbm>> -> memref<1x80x128xf32, #tpu.memory_space<hbm>>
        %dma_wait3A_194 = tpu.memref_squeeze %dma_wait3A_193 : memref<1x80x128xf32, #tpu.memory_space<hbm>> -> memref<80x128xf32, #tpu.memory_space<hbm>>
        %dma_wait3A_195 = arith.constant 0 : i32
        %dma_wait3A_196 = tpu.memref_slice %arg3[%arg0, %multiple_of3A_185, %dma_wait3A_195] : memref<2x10000x128xf32, #tpu.memory_space<hbm>> -> memref<1x80x128xf32, #tpu.memory_space<hbm>>
        %dma_wait3A_197 = tpu.memref_squeeze %dma_wait3A_196 : memref<1x80x128xf32, #tpu.memory_space<hbm>> -> memref<80x128xf32, #tpu.memory_space<hbm>>
        tpu.wait_dma2 semaphore(%run_scoped3A : memref<!tpu.dma_semaphore, #tpu.memory_space<semaphore_mem>>) src(%arg6 : memref<80x128xf32, #tpu.memory_space<vmem>>) dst(%dma_wait3A_197 : memref<80x128xf32, #tpu.memory_space<hbm>>)
        tpu.yield
      }) : () -> ()
    } else {
    }
    %add3A_176 = arith.constant 112 : i32
    %add3A_177 = arith.addi %add3A_176, %arg1 : i32
    %lt3A_178 = arith.constant 125 : i32
    %lt3A_179 = arith.cmpi slt, %add3A_177, %lt3A_178 : i32
    %convert_element_type3A_180 = arith.extui %lt3A_179 : i1 to i32
    %cond3A_181 = arith.constant 0 : i32
    %cond3A_182 = arith.cmpi ne, %convert_element_type3A_180, %cond3A_181 : i32
    scf.if %cond3A_182 {
      %mul3A_183 = arith.constant 80 : i32
      %mul3A_184 = arith.muli %add3A_177, %mul3A_183 : i32
      %multiple_of3A_185 = tpu.assume_multiple %mul3A_184, 8 : i32
      "tpu.region"() ({
        %run_scoped3A = tpu.sem_alloc : memref<!tpu.dma_semaphore, #tpu.memory_space<semaphore_mem>>
        %dma_start3A_186 = arith.constant 0 : i32
        %dma_start3A_187 = tpu.memref_slice %arg7[%multiple_of3A_185, %dma_start3A_186] : memref<10000x128xf32, #tpu.memory_space<vmem_shared>> -> memref<80x128xf32, #tpu.memory_space<vmem_shared>>
        %dma_start3A_188 = arith.constant 0 : i32
        %dma_start3A_189 = tpu.memref_slice %arg7[%multiple_of3A_185, %dma_start3A_188] : memref<10000x128xf32, #tpu.memory_space<vmem_shared>> -> memref<80x128xf32, #tpu.memory_space<vmem_shared>>
        tpu.enqueue_dma source(%dma_start3A_189 : memref<80x128xf32, #tpu.memory_space<vmem_shared>>) target(%arg6 : memref<80x128xf32, #tpu.memory_space<vmem>>) target_semaphore(%run_scoped3A : memref<!tpu.dma_semaphore, #tpu.memory_space<semaphore_mem>>)
        %dma_wait3A_190 = arith.constant 0 : i32
        %dma_wait3A_191 = tpu.memref_slice %arg7[%multiple_of3A_185, %dma_wait3A_190] : memref<10000x128xf32, #tpu.memory_space<vmem_shared>> -> memref<80x128xf32, #tpu.memory_space<vmem_shared>>
        %dma_wait3A_192 = arith.constant 0 : i32
        %dma_wait3A_193 = tpu.memref_slice %arg7[%multiple_of3A_185, %dma_wait3A_192] : memref<10000x128xf32, #tpu.memory_space<vmem_shared>> -> memref<80x128xf32, #tpu.memory_space<vmem_shared>>
        tpu.wait_dma2 semaphore(%run_scoped3A : memref<!tpu.dma_semaphore, #tpu.memory_space<semaphore_mem>>) src(%dma_wait3A_193 : memref<80x128xf32, #tpu.memory_space<vmem_shared>>) dst(%arg6 : memref<80x128xf32, #tpu.memory_space<vmem>>)
        tpu.yield
      }) : () -> ()
      "tpu.region"() ({
        %run_scoped3A = tpu.sem_alloc : memref<!tpu.dma_semaphore, #tpu.memory_space<semaphore_mem>>
        %dma_start3A_186 = arith.constant 0 : i32
        %dma_start3A_187 = tpu.memref_slice %arg3[%arg0, %multiple_of3A_185, %dma_start3A_186] : memref<2x10000x128xf32, #tpu.memory_space<hbm>> -> memref<1x80x128xf32, #tpu.memory_space<hbm>>
        %dma_start3A_188 = tpu.memref_squeeze %dma_start3A_187 : memref<1x80x128xf32, #tpu.memory_space<hbm>> -> memref<80x128xf32, #tpu.memory_space<hbm>>
        %dma_start3A_189 = arith.constant 0 : i32
        %dma_start3A_190 = tpu.memref_slice %arg3[%arg0, %multiple_of3A_185, %dma_start3A_189] : memref<2x10000x128xf32, #tpu.memory_space<hbm>> -> memref<1x80x128xf32, #tpu.memory_space<hbm>>
        %dma_start3A_191 = tpu.memref_squeeze %dma_start3A_190 : memref<1x80x128xf32, #tpu.memory_space<hbm>> -> memref<80x128xf32, #tpu.memory_space<hbm>>
        tpu.enqueue_dma source(%arg6 : memref<80x128xf32, #tpu.memory_space<vmem>>) target(%dma_start3A_191 : memref<80x128xf32, #tpu.memory_space<hbm>>) target_semaphore(%run_scoped3A : memref<!tpu.dma_semaphore, #tpu.memory_space<semaphore_mem>>)
        %dma_wait3A_192 = arith.constant 0 : i32
        %dma_wait3A_193 = tpu.memref_slice %arg3[%arg0, %multiple_of3A_185, %dma_wait3A_192] : memref<2x10000x128xf32, #tpu.memory_space<hbm>> -> memref<1x80x128xf32, #tpu.memory_space<hbm>>
        %dma_wait3A_194 = tpu.memref_squeeze %dma_wait3A_193 : memref<1x80x128xf32, #tpu.memory_space<hbm>> -> memref<80x128xf32, #tpu.memory_space<hbm>>
        %dma_wait3A_195 = arith.constant 0 : i32
        %dma_wait3A_196 = tpu.memref_slice %arg3[%arg0, %multiple_of3A_185, %dma_wait3A_195] : memref<2x10000x128xf32, #tpu.memory_space<hbm>> -> memref<1x80x128xf32, #tpu.memory_space<hbm>>
        %dma_wait3A_197 = tpu.memref_squeeze %dma_wait3A_196 : memref<1x80x128xf32, #tpu.memory_space<hbm>> -> memref<80x128xf32, #tpu.memory_space<hbm>>
        tpu.wait_dma2 semaphore(%run_scoped3A : memref<!tpu.dma_semaphore, #tpu.memory_space<semaphore_mem>>) src(%arg6 : memref<80x128xf32, #tpu.memory_space<vmem>>) dst(%dma_wait3A_197 : memref<80x128xf32, #tpu.memory_space<hbm>>)
        tpu.yield
      }) : () -> ()
    } else {
    }
    return
  }
}

</mosaic_0001>

<sc_bundles>
// kernel: _sc_degree.3.cloned.1.call-start
scs
__scs_entry_jumppad:
0x0: {  	(pc) =	sbr.rel $0x88, $3  }
0x1: {  	(tag) =	ssettag $0x0;
	lr =	simm.s32 $0x1  }
0x2: {  	[smem:$0x3FA0] =	sst lr;
	_ =	strace $0xD0000000  }
0x3: {  	_ = 	snop  }
0x4: {  	_ = 	snop  }
0x5: {  	_ = 	snop  }
0x6: {  	_ = 	snop  }
0x7: {  	_ = 	snop  }
__scs_overlays_trampoline_lowered:
0x8: {  	[smem:$0x3FAF] =	sst s0  }
0x9: {  	[smem:$0x3FB0] =	sst s1  }
0xa: {  	[smem:$0x3FB1] =	sst s2  }
0xb: {  	[smem:$0x3FB2] =	sst s3  }
0xc: {  	[smem:$0x3FB3] =	sst s4  }
0xd: {  	[smem:$0x3FB4] =	sst s5  }
0xe: {  	[smem:$0x3FB5] =	sst s6  }
0xf: {  	[smem:$0x3FB6] =	sst s7  }
0x10: {  	[smem:$0x3FB7] =	sst s8  }
0x11: {  	[smem:$0x3FB8] =	sst s9;
	s0 =	simm.s32 @!p0 $0x0  }
0x12: {  	s1 =	sld [smem:$0x3F9E];
	s0 =	simm.s32 @p0 $0x1  }
0x13: {  	[smem:$0x3FB9] =	sst s0;
	s0 =	simm.s32 @!p1 $0x0  }
0x14: {  	s2 =	sld [smem:$0x3F9D];
	s0 =	simm.s32 @p1 $0x1  }
0x15: {  	[smem:$0x3FBA] =	sst s0;
	s0 =	simm.s32 @!p2 $0x0  }
0x16: {  	s3 =	sld [smem:$0x3FDB];
	s0 =	simm.s32 @p2 $0x1  }
0x17: {  	s4 =	simm.s32 $0x1BF5;
	[smem:$0x3FBC] =	sst s0  }
0x18: {  	s0 =	sld [smem:$0x3F9F];
	_ =	swait.ge [sflag:s4], $0x0  }
0x19: {  	s7 =	sld [smem:$0x3FA0]  }
0x1a: {  	s8 =	sadd.s32 $0xFFFFE003, lr  }
0x1b: {  	s9 =	sadd.s32 $0xFFFFFEF7, lr;
	s5 =	simm.s32 $0xFFFFFFFF;
	p2 =	slt.u32 s8, $0xFFFFF086  }
0x1c: {  	p1 =	slt.u32 s9, $0xF7A;
	s5 =	simm.s32 @!p2 $0x0  }
0x1d: {  	s5 =	simm.s32 @p1 $0x1;
	p0 =	seq.s32 s7, s2  }
0x1e: {  	s7 =	smul.u32 @!p0 $0xF7A, s2;
	p2 =	seq.s32 @!p0 s5, $0x0  }
0x1f: {  	s9 =	smul.u32 $0xF7A, s1;
	s8 =	simm.s32 @!p0 $0x1BF5;
	p2 =	por !p2, p0  }
0x20: {  	[sflag:s8] =	ssyncset.s32 @!p0 $0xFFFFF086;
	s6 =	sadd.s32 @!p0 s3, s7;
	s7 =	simm.s32 @!p0 $0x108  }
0x21: {  	s3 =	sadd.s32 s3, s9;
	s6 =	sadd.s32 @!p0 $0x88, s6;
	s7 =	simm.s32 @p2 $0x1082  }
0x22: {  	[simem:s7], [sflag:s8] =	dma.local @!p0 [hbm:s6], $0xF7A  }
0x23: {  	s9 =	sor.u32 $0xD0000000, s2;
	s6 =	simm.s32 $0x108;
	_ =	swait.ge @!p0 [sflag:s8], $0x0  }
0x24: {  	s3 =	sadd.s32 $0x88, s3;
	s6 =	simm.s32 @!p1 $0x1082;
	[sflag:s4] =	ssyncset.s32 $0xFFFFF086  }
0x25: {  	[simem:s6], [sflag:s4] =	dma.local [hbm:s3], $0xF7A  }
0x26: {  	[smem:$0x3FA0] =	sst s1;
	(tag) =	ssettag s2;
	_ =	strace s9  }
0x27: {  	s1 =	sld [smem:$0x3FB0]  }
0x28: {  	s2 =	sld [smem:$0x3FB1]  }
0x29: {  	s4 =	sld [smem:$0x3FB3]  }
0x2a: {  	p0 =	seq.s32 s5, $0x0;
	s5 =	sld [smem:$0x3FB4]  }
0x2b: {  	s6 =	sld [smem:$0x3FB5]  }
0x2c: {  	s7 =	sld [smem:$0x3FB6]  }
0x2d: {  	s3 =	simm.s32 $0x108;
	s8 =	sld [smem:$0x3FB7]  }
0x2e: {  	s3 =	simm.s32 @!p0 $0x1082;
	s9 =	sld [smem:$0x3FB8]  }
0x2f: {  	lr =	sadd.s32 s0, s3;
	s0 =	sld [smem:$0x3FAF]  }
0x30: {  	s3 =	sld [smem:$0x3FB2]  }
0x31: {  	[smem:$0x3FBB] =	sst s10  }
0x32: {  	s10 =	sld [smem:$0x3FB9];
	_ =	sdelay $0x3  }
0x33: {  	p0 =	seq.s32 s10, $0x1;
	s10 =	sld [smem:$0x3FBB];
	_ =	sdelay $0x3  }
0x34: {  	[smem:$0x3FBB] =	sst s10  }
0x35: {  	s10 =	sld [smem:$0x3FBA];
	_ =	sdelay $0x3  }
0x36: {  	p1 =	seq.s32 s10, $0x1;
	s10 =	sld [smem:$0x3FBB];
	_ =	sdelay $0x3  }
0x37: {  	[smem:$0x3FBB] =	sst s10  }
0x38: {  	s10 =	sld [smem:$0x3FBC]  }
0x39: {  	_ = 	snop;
	(pc) =	sbr.ind lr, $3  }
0x3a: {  	_ = 	snop  }
0x3b: {  	_ = 	snop  }
0x3c: {  	p2 =	seq.s32 s10, $0x1;
	s10 =	sld [smem:$0x3FBB]  }
0x3d: {  	_ =	shalt  }
0x3e: {  	_ =	shalt  }
0x3f: {  	_ =	shalt  }
0x40: {  	_ =	shalt  }
0x41: {  	_ =	shalt  }
0x42: {  	_ =	shalt  }
0x43: {  	_ =	shalt  }
0x44: {  	_ =	shalt  }
0x45: {  	_ =	shalt  }
0x46: {  	_ =	shalt  }
0x47: {  	_ =	shalt  }
0x48: {  	_ =	shalt  }
0x49: {  	_ =	shalt  }
0x4a: {  	_ =	shalt  }
0x4b: {  	_ =	shalt  }
0x4c: {  	_ =	shalt  }
0x4d: {  	_ =	shalt  }
0x4e: {  	_ =	shalt  }
0x4f: {  	_ =	shalt  }
0x50: {  	_ =	shalt  }
0x51: {  	_ =	shalt  }
0x52: {  	_ =	shalt  }
0x53: {  	_ =	shalt  }
0x54: {  	_ =	shalt  }
0x55: {  	_ =	shalt  }
0x56: {  	_ =	shalt  }
0x57: {  	_ =	shalt  }
0x58: {  	_ =	shalt  }
0x59: {  	_ =	shalt  }
0x5a: {  	_ =	shalt  }
0x5b: {  	_ =	shalt  }
0x5c: {  	_ =	shalt  }
0x5d: {  	_ =	shalt  }
0x5e: {  	_ =	shalt  }
0x5f: {  	_ =	shalt  }
0x60: {  	_ =	shalt  }
0x61: {  	_ =	shalt  }
0x62: {  	_ =	shalt  }
0x63: {  	_ =	shalt  }
0x64: {  	_ =	shalt  }
0x65: {  	_ =	shalt  }
0x66: {  	_ =	shalt  }
0x67: {  	_ =	shalt  }
0x68: {  	_ =	shalt  }
0x69: {  	_ =	shalt  }
0x6a: {  	_ =	shalt  }
0x6b: {  	_ =	shalt  }
0x6c: {  	_ =	shalt  }
0x6d: {  	_ =	shalt  }
0x6e: {  	_ =	shalt  }
0x6f: {  	_ =	shalt  }
0x70: {  	_ =	shalt  }
0x71: {  	_ =	shalt  }
0x72: {  	_ =	shalt  }
0x73: {  	_ =	shalt  }
0x74: {  	_ =	shalt  }
0x75: {  	_ =	shalt  }
0x76: {  	_ =	shalt  }
0x77: {  	_ =	shalt  }
0x78: {  	_ =	shalt  }
0x79: {  	_ =	shalt  }
0x7a: {  	_ =	shalt  }
0x7b: {  	_ =	shalt  }
0x7c: {  	_ =	shalt  }
0x7d: {  	_ =	shalt  }
0x7e: {  	_ =	shalt  }
0x7f: {  	_ =	shalt  }
0x80: {  	_ =	shalt  }
0x81: {  	_ =	shalt  }
0x82: {  	_ =	shalt  }
0x83: {  	_ =	shalt  }
0x84: {  	_ =	shalt  }
0x85: {  	_ =	shalt  }
0x86: {  	_ =	shalt  }
0x87: {  	_ =	shalt  }
.Lfunc_end0:
.L_simem_size_0:
called_computation_lowered:
.L_overlay_start_0:
0x88: {  	s2 =	sld [smem:$0x3FD9]  }
0x89: {  	s3 =	sld [smem:$0x3FFE];
	_ =	sdelay $0x1  }
0x8a: {  	s1 =	srdreg.scid  }
0x8b: {  	s0 =	sand.u32 $0x1, s1  }
0x8c: {  	s18 =	sshll.u32 s0, $0xA;
	s2 =	sadd.s32 s3, s2  }
0x8d: {  	s2 =	sadd.s32 s2, s18  }
0x8e: {  	[smem:$0x3FC7] =	sst s2  }
0x8f: {  	_ = 	snop  }
0x90: {  	s2 =	sld [smem:$0x3FC9]  }
0x91: {  	s19 =	sld [smem:$0x3FD0];
	(tm) =	ssettm $0x1  }
0x92: {  	s4 =	sld [smem:$0x3FFB];
	_ =	sdelay $0x3  }
0x93: {  	_ =	strace s4  }
0x94: {  	s4 =	sld [smem:$0x3FFC];
	_ =	sdelay $0x3  }
0x95: {  	_ =	strace s4  }
0x96: {  	s4 =	sld [smem:$0x3FFD];
	_ =	sdelay $0x3  }
0x97: {  	_ =	strace s4  }
0x98: {  	_ =	strace $0x8FFFFFFF  }
0x99: {  	s20 =	sld [smem:$0x3FDB];
	_ =	sdelay $0x1  }
0x9a: {  	s5 =	simm.s32 $_scs_section_size  }
0x9b: {  	s6 =	simm.s32 $_size__tile_overlayer_lowered;
	s7 =	simm.s32 $_tile_overlayer_lowered  }
0x9c: {  	s23 =	simm.s32 $0x1BFF;
	s22 =	sshll.u32 s7, $0x1;
	s4 =	sadd.s32 s5, s20  }
0x9d: {  	s8 =	simm.s32 $0x0;
	s21 =	sshll.u32 s6, $0x1;
	s6 =	sadd.s32 s22, s4  }
0x9e: {  	[timem:s8], [sflag:s23] =	dma.local [hbm:s6], s21  }
0x9f: {  	_ =	swait.ge [sflag:s23], s21  }
0xa0: {  	s5 =	ssub.s32 $0x0, s21;
	[sflag:s23] =	ssyncset.done $0x0  }
0xa1: {  	[sflag:s23] =	ssyncadd.s32 s5;
	_ =	sdelay $0x1  }
0xa2: {  	s24 =	simm.s32 $0x1B8B  }
0xa3: {  	_ =	swait.ge [sflag:s24], $0x1  }
0xa4: {  	[sflag:s24] =	ssyncset.done $0x0  }
0xa5: {  	s25 =	simm.s32 $0x1B8E;
	[sflag:s24] =	ssyncadd.s32 $0xFFFFFFFF  }
0xa6: {  	s26 =	simm.s32 $execute0_lowered;
	[smem:$0x3FD2] =	sst s25  }
0xa7: {  	s5 =	sshll.u32 s26, $0x1;
	_ =	strace $0x80000046;
	[dreg:$0x1] =	wrdreg $0xFFFFFFFF  }
0xa8: {  	s28 =	simm.s32 $_size_execute0_lowered;
	s4 =	sadd.s32 s4, s5;
	[dreg:$0x0] =	wrdreg $0x0  }
0xa9: {  	s5 =	sshll.u32 s28, $0x1;
	[dreg:$0x2] =	wrdreg s4  }
0xaa: {  	[dreg:$0x3] =	wrdreg s5  }
0xab: {  	[dreg:$0x4] =	wrdreg $0xC0  }
0xac: {  	_ =	task [dreg:s8], $0x5FFFF  }
0xad: {  	[dreg:$0x1] =	wrdreg $0xFFFFFFFF  }
0xae: {  	[dreg:$0x0] =	wrdreg $0x60  }
0xaf: {  	[dreg:$0x2] =	wrdreg s2  }
0xb0: {  	[dreg:$0x3] =	wrdreg s19  }
0xb1: {  	[dreg:$0x4] =	wrdreg $0x51000  }
0xb2: {  	[dreg:$0x5] =	wrdreg $0x9  }
0xb3: {  	_ =	task.clear_ibuf [dreg:s8], $0x6FFFF;
	_ =	strace $0x90000046  }
0xb4: {  	s29 =	simm.s32 $0x9;
	_ =	strace $0x80000048  }
0xb5: {  	_ =	swait.ge [sflag:s29], $0x1  }
0xb6: {  	[sflag:s29] =	ssyncadd.s32 $0xFFFFFFFF  }
0xb7: {  	_ =	strace $0x90000048  }
0xb8: {  	_ =	sfence  }
0xb9: {  	s30 =	sld [smem:$0x0];
	_ =	sdelay $0x2  }
0xba: {  	s31 =	sshll.u32 s1, $0xD;
	s1 =	sshrl.u32 s1, $0x2  }
0xbb: {  	s3 =	sand.u32 $0x4000, s31;
	s1 =	sadd.s32 s1, s30  }
0xbc: {  	s0 =	sor.u32 s3, s0;
	s1 =	sshll.u32 s1, $0x11  }
0xbd: {  	s0 =	sor.u32 s1, s0  }
0xbe: {  	s0 =	sadd.s32 $0x8F2B, s0  }
0xbf: {  	[sflag:s0] =	ssyncadd.remote.s32 $0x1  }
0xc0: {  	_ =	sfence.sel $0xFFFF  }
0xc1: {  	[dreg:$0x0] =	wrdreg $0xFFFFFFFF;
	(pc) =	sbr.abs _section_cstart, $3  }
0xc2: {  	[dreg:$0x1] =	wrdreg $0xFFFFFFFF  }
0xc3: {  	_ =	task.clear_ibuf [dreg:s8], $0x2FFFF;
	_ =	strace $0x9FFFFFFF  }
0xc4: {  	(tm) =	ssettm $0x7FFFFFFF  }
0xc5: {  	_ =	shalt  }
tec
execute0_lowered:
.L_overlay_start_1:
0x0: {  	(tag) =	ssettag $0x1  }
0x1: {  	s26 =	stileid.u32  }
0x2: {  	s6 =	smul.u32 $0xA000, s26;
	s14 =	sor.u32 $0x10, s26  }
0x3: {  	s1 =	rddreg [dreg:$0x0];
	s15 =	sor.u32 $0x20, s26;
	s7 =	smul.u32 $0xA000, s14  }
0x4: {  	s0 =	rddreg [dreg:$0x1];
	s16 =	sor.u32 $0x30, s26;
	s8 =	smul.u32 $0xA000, s15  }
0x5: {  	s3 =	srdreg.scid;
	s17 =	sor.u32 $0x40, s26;
	s10 =	smul.u32 $0xA000, s16  }
0x6: {  	s2 =	rddreg [dreg:$0x2];
	s18 =	sor.u32 $0x50, s26;
	s11 =	smul.u32 $0xA000, s17  }
0x7: {  	s29 =	simm.s32 $0x5;
	s30 =	simm.s32 $0x3;
	s12 =	smul.u32 $0xA000, s18  }
0x8: {  	s31 =	simm.s32 $0x50;
	s13 =	sand.u32 $0x1, s3;
	s14 =	smul.u32 $0x2800, s14  }
0x9: {  	s3 =	simm.s32 $0x0;
	s19 =	sor.u32 $0x60, s26;
	s15 =	smul.u32 $0x2800, s15  }
0xa: {  	p0 =	sgt.u32 s26, $0xC;
	s4 =	ssub.s32 $0x2, s13;
	s16 =	smul.u32 $0x2800, s16  }
0xb: {  	[smem:$0x7FF] =	sst s3;
	s20 =	sshll.u32 s13, $0x4;
	s17 =	smul.u32 $0x2800, s17  }
0xc: {  	s18 =	smul.u32 $0x2800, s18;
	s5 =	sshrl.u32 s4, $0x1;
	_ =	strace $0x80000047  }
0xd: {  	s9 =	sor.u32 s26, s20;
	s21 =	sshrl.u32 s6, $0x2;
	s20 =	smul.u32 $0xA000, s19  }
0xe: {  	s4 =	ssub.s32 s4, s5;
	s5 =	sadd.s32 s21, s2;
	s22 =	sshrl.u32 s7, $0x2  }
0xf: {  	s23 =	sshrl.u32 s8, $0x2;
	s21 =	sor.u32 $0x70, s26;
	s24 =	sshrl.u32 s10, $0x2  }
0x10: {  	s11 =	sshrl.u32 s11, $0x2;
	s12 =	sshrl.u32 s12, $0x2;
	s25 =	smul.u32 $0xA000, s21  }
0x11: {  	s6 =	sadd.s32 s22, s2;
	s7 =	sadd.s32 s23, s2;
	s22 =	smul.u32 $0x2710, s9  }
0x12: {  	s8 =	sadd.s32 s24, s2;
	s9 =	sadd.s32 s11, s2;
	s23 =	smul.u32 $0x138800, s13  }
0x13: {  	s20 =	sshrl.u32 s20, $0x2;
	s24 =	smul.u32 $0x2800, s26;
	s10 =	sadd.s32 s12, s2  }
0x14: {  	s13 =	smul.u32 $0x27100, s13;
	s11 =	sadd.s32 s20, s2;
	s25 =	sshrl.u32 s25, $0x2  }
0x15: {  	s22 =	sshrl.u32 s22, $0x3;
	s24 =	sadd.s32 s24, s23;
	s14 =	sadd.s32 s23, s14  }
0x16: {  	s15 =	sadd.s32 s23, s15;
	s17 =	sadd.s32 s23, s17;
	s12 =	sadd.s32 s25, s2  }
0x17: {  	s28 =	sadd.s32 s1, s22;
	s25 =	sshrl.u32 s24, $0x3;
	s22 =	smul.u32 $0x2800, s19  }
0x18: {  	s14 =	sshrl.u32 s14, $0x3;
	s15 =	sshrl.u32 s15, $0x3;
	s24 =	smul.u32 $0x2800, s21  }
0x19: {  	s17 =	sshrl.u32 s17, $0x3;
	s20 =	sadd.s32 s0, s25;
	s14 =	sadd.s32 s0, s14  }
0x1a: {  	s25 =	smul.u32 $0x2710, s26;
	s26 =	sadd.s32 $0x4D8, s28;
	[dreg:$0x4] =	wrdreg s20  }
0x1b: {  	[dreg:$0x5] =	wrdreg s14;
	s14 =	sadd.s32 s0, s15;
	s20 =	sadd.s32 s23, s16  }
0x1c: {  	s15 =	sadd.s32 s23, s18;
	s16 =	sadd.s32 s23, s22;
	s18 =	sadd.s32 s23, s24  }
0x1d: {  	[dreg:$0x6] =	wrdreg s14;
	s14 =	sshrl.u32 s20, $0x3;
	s20 =	sadd.s32 s0, s17  }
0x1e: {  	s21 =	sshrl.u32 s15, $0x3;
	s22 =	sshrl.u32 s16, $0x3;
	s13 =	sadd.s32 s25, s13  }
0x1f: {  	s23 =	sshrl.u32 s18, $0x3;
	s15 =	simm.s32 $0x1;
	s16 =	simm.s32 $0x2  }
0x20: {  	s14 =	sadd.s32 s0, s14;
	[dreg:$0x8] =	wrdreg s20;
	s24 =	sadd.s32 $0xF0, s13  }
0x21: {  	[dreg:$0x7] =	wrdreg s14;
	s14 =	sadd.s32 s0, s21;
	s25 =	sshrl.u32 s24, $0x3  }
0x22: {  	s21 =	smov.u32 s28;
	[dreg:$0x9] =	wrdreg s14;
	s14 =	sadd.s32 s0, s22  }
0x23: {  	s0 =	sadd.s32 s0, s23;
	s22 =	sadd.s32 $0xA, s28;
	s23 =	smax.u32 s4, $0x1  }
0x24: {  	s24 =	sadd.s32 s25, s1;
	s25 =	sadd.s32 $0xA0, s13;
	s28 =	simm.s32 $0x2900  }
0x25: {  	s4 =	simm.s32 $0x80;
	s13 =	simm.s32 $0x0;
	[dreg:$0xa] =	wrdreg s14  }
0x26: {  	v0 =	vimm.f32 $0.0e+00;
	v1 =	vimm.f32 $1.000000000e+00;
	[dreg:$0xb] =	wrdreg s0;
	s0 =	simm.s32 $0x100;
	s14 =	simm.s32 $0x4  }
.LBB2_1:
0x27: {  	s17 =	simm.s32 $0x0;
	s18 =	simm.s32 $0x200  }
.LBB2_2:
0x28: {  	p1 =	sne.s32 s18, $0x9E00;
	[tilespmem:s17+$0x2970] =	vst v0  }
0x29: {  	[tilespmem:s17+$0x2900] =	vst v0  }
0x2a: {  	[tilespmem:s17+$0x2910] =	vst v0  }
.Ltmp0:
0x2b: {  	[tilespmem:s17+$0x2920] =	vst v0;
	(pc) =	sbr.rel @p1 .LBB2_2-.Ltmp0, $4  }
0x2c: {  	[tilespmem:s17+$0x2930] =	vst v0  }
0x2d: {  	[tilespmem:s17+$0x2940] =	vst v0  }
0x2e: {  	[tilespmem:s17+$0x2950] =	vst v0  }
0x2f: {  	[tilespmem:s17+$0x2960] =	vst v0;
	s17 =	sshra.s32 s18, $0x2;
	s18 =	sadd.s32 $0x200, s18  }
0x30: {  	[tilespmem:s17+$0x2970] =	vst v0  }
0x31: {  	[tilespmem:s17+$0x2900] =	vst v0  }
0x32: {  	[tilespmem:s17+$0x2910] =	vst v0  }
0x33: {  	[tilespmem:s17+$0x2920] =	vst v0  }
0x34: {  	[tilespmem:s17+$0x2930] =	vst v0  }
0x35: {  	[tilespmem:s17+$0x2940] =	vst v0  }
0x36: {  	[tilespmem:s17+$0x2950] =	vst v0  }
0x37: {  	[tilespmem:s17+$0x2960] =	vst v0;
	s17 =	simm.s32 $0x0;
	s18 =	simm.s32 $0x200  }
.LBB2_4:
0x38: {  	p1 =	sne.s32 s18, $0x9E00;
	[tilespmem:s17+$0x170] =	vst v1  }
0x39: {  	[tilespmem:s17+$0x100] =	vst v1  }
0x3a: {  	[tilespmem:s17+$0x110] =	vst v1  }
.Ltmp1:
0x3b: {  	[tilespmem:s17+$0x120] =	vst v1;
	(pc) =	sbr.rel @p1 .LBB2_4-.Ltmp1, $4  }
0x3c: {  	[tilespmem:s17+$0x130] =	vst v1  }
0x3d: {  	[tilespmem:s17+$0x140] =	vst v1  }
0x3e: {  	[tilespmem:s17+$0x150] =	vst v1  }
0x3f: {  	[tilespmem:s17+$0x160] =	vst v1;
	s17 =	sshra.s32 s18, $0x2;
	s18 =	sadd.s32 $0x200, s18  }
0x40: {  	[tilespmem:s17+$0x170] =	vst v1  }
0x41: {  	[tilespmem:s17+$0x100] =	vst v1  }
0x42: {  	[tilespmem:s17+$0x110] =	vst v1  }
0x43: {  	[tilespmem:s17+$0x120] =	vst v1  }
0x44: {  	[tilespmem:s17+$0x130] =	vst v1  }
0x45: {  	[tilespmem:s17+$0x140] =	vst v1  }
0x46: {  	[tilespmem:s17+$0x150] =	vst v1  }
0x47: {  	[tilespmem:s17+$0x160] =	vst v1  }
0x48: {  	[spmem:s5] =	stream.linear.scatter [tilespmem:s28], [sflag:$0x5], $0x2800, $0x38;
	[tilespmem:$0x18980] =	vst v63  }
0x49: {  	_ =	swait.ge [sflag:s29], $0x2800  }
0x4a: {  	[sflag:s29] =	ssyncset.done $0x0  }
0x4b: {  	[sflag:s29] =	ssyncadd.s32 $0xFFFFD800  }
0x4c: {  	[spmem:s6] =	stream.linear.scatter [tilespmem:s28], [sflag:$0x5], $0x2800, $0x38;
	[tilespmem:$0x18980] =	vst v63  }
0x4d: {  	_ =	swait.ge [sflag:s29], $0x2800  }
0x4e: {  	[sflag:s29] =	ssyncset.done $0x0  }
0x4f: {  	[sflag:s29] =	ssyncadd.s32 $0xFFFFD800  }
0x50: {  	[spmem:s7] =	stream.linear.scatter [tilespmem:s28], [sflag:$0x5], $0x2800, $0x38;
	[tilespmem:$0x18980] =	vst v63  }
0x51: {  	_ =	swait.ge [sflag:s29], $0x2800  }
0x52: {  	[sflag:s29] =	ssyncset.done $0x0  }
0x53: {  	[sflag:s29] =	ssyncadd.s32 $0xFFFFD800  }
0x54: {  	[spmem:s8] =	stream.linear.scatter [tilespmem:s28], [sflag:$0x5], $0x2800, $0x38;
	[tilespmem:$0x18980] =	vst v63  }
0x55: {  	_ =	swait.ge [sflag:s29], $0x2800  }
0x56: {  	[sflag:s29] =	ssyncset.done $0x0  }
0x57: {  	[sflag:s29] =	ssyncadd.s32 $0xFFFFD800  }
0x58: {  	[spmem:s9] =	stream.linear.scatter [tilespmem:s28], [sflag:$0x5], $0x2800, $0x38;
	[tilespmem:$0x18980] =	vst v63  }
0x59: {  	_ =	swait.ge [sflag:s29], $0x2800  }
0x5a: {  	[sflag:s29] =	ssyncset.done $0x0  }
0x5b: {  	[sflag:s29] =	ssyncadd.s32 $0xFFFFD800  }
0x5c: {  	[spmem:s10] =	stream.linear.scatter [tilespmem:s28], [sflag:$0x5], $0x2800, $0x38;
	[tilespmem:$0x18980] =	vst v63  }
0x5d: {  	_ =	swait.ge [sflag:s29], $0x2800  }
0x5e: {  	[sflag:s29] =	ssyncset.done $0x0  }
0x5f: {  	[sflag:s29] =	ssyncadd.s32 $0xFFFFD800  }
0x60: {  	[spmem:s11] =	stream.linear.scatter [tilespmem:s28], [sflag:$0x5], $0x2800, $0x38;
	[tilespmem:$0x18980] =	vst v63  }
0x61: {  	_ =	swait.ge [sflag:s29], $0x2800  }
0x62: {  	[sflag:s29] =	ssyncset.done $0x0  }
0x63: {  	s17 =	simm.s32 @!p0 $0x2900;
	[sflag:s29] =	ssyncadd.s32 $0xFFFFD800  }
0x64: {  	[spmem:s12] =	stream.linear.scatter @!p0 [tilespmem:s17], [sflag:$0x5], $0x2800, $0x38;
	[tilespmem:$0x18980] =	vst v63  }
0x65: {  	s17 =	simm.s32 @!p0 $0x5  }
0x66: {  	_ =	swait.ge @!p0 [sflag:s17], $0x2800  }
0x67: {  	[sflag:s17] =	ssyncset.done @!p0 $0x0  }
0x68: {  	[sflag:s17] =	ssyncadd.s32 @!p0 $0xFFFFD800  }
0x69: {  	s19 =	simm.s32 $0x0;
	[bflag:$0x0] =	sbarrier.arrive $0xFFFF  }
0x6a: {  	[tilespmem:s19], [sflag:$0x3] =	stream.linear.gather [hbm4b:s21+s19], $0x50, $0x38;
	[tilespmem:$0x18980] =	vst v63  }
0x6b: {  	_ =	swait.ge [sflag:s30], $0x50  }
0x6c: {  	[sflag:s30] =	ssyncset.done $0x0  }
0x6d: {  	[sflag:s30] =	ssyncadd.s32 $0xFFFFFFB0  }
0x6e: {  	[spmem:s2] =	stream.indirect.scatter.add.f32 [tilespmem:s0], [sflag:$0x1], $0x80, s19, s31, $0xb8;
	[tilespmem:$0x18980] =	vst v63  }
0x6f: {  	_ = 	snop  }
0x70: {  	[tilespmem:s4], [sflag:$0x4] =	stream.linear.gather [hbm4b:s22+s19], $0x50, $0x38;
	[tilespmem:$0x18980] =	vst v63  }
0x71: {  	_ =	swait.ge [sflag:s14], $0x50  }
0x72: {  	[sflag:s14] =	ssyncset.done $0x0  }
0x73: {  	[sflag:s14] =	ssyncadd.s32 $0xFFFFFFB0  }
0x74: {  	[spmem:s2] =	stream.indirect.scatter.add.f32 [tilespmem:s0], [sflag:$0x2], $0x80, s4, s31, $0xb8;
	[tilespmem:$0x18980] =	vst v63  }
0x75: {  	_ =	swait.ge [sflag:s15], $0x2800  }
0x76: {  	s20 =	sshrl.u32 s25, $0x3;
	[sflag:s15] =	ssyncset.done $0x0  }
0x77: {  	s17 =	sadd.s32 s1, s20;
	[sflag:s15] =	ssyncadd.s32 $0xFFFFD800  }
0x78: {  	[tilespmem:s3], [sflag:$0x3] =	stream.linear.gather [hbm4b:s17+s3], $0x50, $0x38;
	[tilespmem:$0x18980] =	vst v63  }
0x79: {  	_ =	swait.ge [sflag:s30], $0x50  }
0x7a: {  	[sflag:s30] =	ssyncset.done $0x0  }
0x7b: {  	[sflag:s30] =	ssyncadd.s32 $0xFFFFFFB0  }
0x7c: {  	[spmem:s2] =	stream.indirect.scatter.add.f32 [tilespmem:s0], [sflag:$0x1], $0x80, s3, s31, $0xb8;
	[tilespmem:$0x18980] =	vst v63  }
0x7d: {  	_ =	swait.ge [sflag:s16], $0x2800  }
0x7e: {  	s18 =	sadd.s32 $0xA0, s25;
	[sflag:s16] =	ssyncset.done $0x0  }
0x7f: {  	s19 =	sadd.s32 $0x0, s24;
	s17 =	simm.s32 $0x14;
	[sflag:s16] =	ssyncadd.s32 $0xFFFFD800  }
.LBB2_6:
0x80: {  	[tilespmem:s4], [sflag:$0x4] =	stream.linear.gather [hbm4b:s19+s3], $0x50, $0x38;
	[tilespmem:$0x18980] =	vst v63  }
0x81: {  	s19 =	smov.u32 s17  }
0x82: {  	p1 =	sne.s32 s17, $0x4B0;
	s17 =	sadd.s32 $0x14, s17;
	_ =	swait.ge [sflag:s14], $0x50  }
0x83: {  	[sflag:s14] =	ssyncset.done $0x0  }
0x84: {  	[sflag:s14] =	ssyncadd.s32 $0xFFFFFFB0  }
0x85: {  	[spmem:s2] =	stream.indirect.scatter.add.f32 [tilespmem:s0], [sflag:$0x2], $0x80, s4, s31, $0xb8;
	[tilespmem:$0x18980] =	vst v63  }
0x86: {  	_ =	swait.ge [sflag:s15], $0x2800  }
0x87: {  	s20 =	sshrl.u32 s18, $0x3;
	[sflag:s15] =	ssyncset.done $0x0  }
0x88: {  	s20 =	sadd.s32 s1, s20;
	[sflag:s15] =	ssyncadd.s32 $0xFFFFD800  }
0x89: {  	[tilespmem:s3], [sflag:$0x3] =	stream.linear.gather [hbm4b:s20+s3], $0x50, $0x38;
	[tilespmem:$0x18980] =	vst v63  }
0x8a: {  	_ =	swait.ge [sflag:s30], $0x50  }
0x8b: {  	[sflag:s30] =	ssyncset.done $0x0  }
.Ltmp2:
0x8c: {  	[sflag:s30] =	ssyncadd.s32 $0xFFFFFFB0;
	(pc) =	sbr.rel @p1 .LBB2_6-.Ltmp2, $4  }
0x8d: {  	[spmem:s2] =	stream.indirect.scatter.add.f32 [tilespmem:s0], [sflag:$0x1], $0x80, s3, s31, $0xb8;
	[tilespmem:$0x18980] =	vst v63  }
0x8e: {  	_ =	swait.ge [sflag:s16], $0x2800  }
0x8f: {  	[sflag:s16] =	ssyncset.done $0x0  }
0x90: {  	s18 =	sadd.s32 $0xA0, s18;
	s19 =	sadd.s32 s19, s24;
	[sflag:s16] =	ssyncadd.s32 $0xFFFFD800  }
0x91: {  	[tilespmem:s4], [sflag:$0x4] =	stream.linear.gather [hbm4b:s19+s3], $0x50, $0x38;
	[tilespmem:$0x18980] =	vst v63  }
0x92: {  	_ =	swait.ge [sflag:s14], $0x50  }
0x93: {  	[sflag:s14] =	ssyncset.done $0x0  }
0x94: {  	[sflag:s14] =	ssyncadd.s32 $0xFFFFFFB0  }
0x95: {  	[spmem:s2] =	stream.indirect.scatter.add.f32 [tilespmem:s0], [sflag:$0x2], $0x80, s4, s31, $0xb8;
	[tilespmem:$0x18980] =	vst v63  }
0x96: {  	_ =	swait.ge [sflag:s15], $0x2800  }
0x97: {  	[sflag:s15] =	ssyncset.done $0x0  }
0x98: {  	[sflag:s15] =	ssyncadd.s32 $0xFFFFD800  }
0x99: {  	[tilespmem:s3], [sflag:$0x3] =	stream.linear.gather [hbm4b:s26+s3], $0x50, $0x38;
	[tilespmem:$0x18980] =	vst v63  }
0x9a: {  	_ =	swait.ge [sflag:s30], $0x50  }
0x9b: {  	[sflag:s30] =	ssyncset.done $0x0  }
0x9c: {  	[sflag:s30] =	ssyncadd.s32 $0xFFFFFFB0  }
0x9d: {  	[spmem:s2] =	stream.indirect.scatter.add.f32 [tilespmem:s0], [sflag:$0x1], $0x80, s3, s31, $0xb8;
	[tilespmem:$0x18980] =	vst v63  }
0x9e: {  	_ =	swait.ge [sflag:s16], $0x2800  }
0x9f: {  	[sflag:s16] =	ssyncset.done $0x0  }
0xa0: {  	[sflag:s16] =	ssyncadd.s32 $0xFFFFD800  }
0xa1: {  	_ =	swait.ge [sflag:s15], $0x2800  }
0xa2: {  	[sflag:s15] =	ssyncset.done $0x0  }
0xa3: {  	[sflag:s15] =	ssyncadd.s32 $0xFFFFD800  }
0xa4: {  	[bflag:$0x0] =	sbarrier.arrive $0xFFFF  }
0xa5: {  	[tilespmem:s28], [sflag:$0x5] =	stream.linear.gather [spmem:s5], $0x2800, $0x38;
	[tilespmem:$0x18980] =	vst v63  }
0xa6: {  	_ =	swait.ge [sflag:s29], $0x2800  }
0xa7: {  	[sflag:s29] =	ssyncset.done $0x0  }
0xa8: {  	s17 =	rddreg [dreg:$0x4];
	[sflag:s29] =	ssyncadd.s32 $0xFFFFD800  }
0xa9: {  	[hbm4b:s17+s3] =	stream.linear.scatter [tilespmem:s28], [sflag:$0x5], $0x2800, $0x38;
	[tilespmem:$0x18980] =	vst v63  }
0xaa: {  	_ =	swait.ge [sflag:s29], $0x2800  }
0xab: {  	[sflag:s29] =	ssyncset.done $0x0  }
0xac: {  	[sflag:s29] =	ssyncadd.s32 $0xFFFFD800  }
0xad: {  	[tilespmem:s28], [sflag:$0x5] =	stream.linear.gather [spmem:s6], $0x2800, $0x38;
	[tilespmem:$0x18980] =	vst v63  }
0xae: {  	_ =	swait.ge [sflag:s29], $0x2800  }
0xaf: {  	[sflag:s29] =	ssyncset.done $0x0  }
0xb0: {  	s18 =	rddreg [dreg:$0x5];
	[sflag:s29] =	ssyncadd.s32 $0xFFFFD800  }
0xb1: {  	[hbm4b:s18+s3] =	stream.linear.scatter [tilespmem:s28], [sflag:$0x5], $0x2800, $0x38;
	[tilespmem:$0x18980] =	vst v63  }
0xb2: {  	_ =	swait.ge [sflag:s29], $0x2800  }
0xb3: {  	[sflag:s29] =	ssyncset.done $0x0  }
0xb4: {  	[sflag:s29] =	ssyncadd.s32 $0xFFFFD800  }
0xb5: {  	[tilespmem:s28], [sflag:$0x5] =	stream.linear.gather [spmem:s7], $0x2800, $0x38;
	[tilespmem:$0x18980] =	vst v63  }
0xb6: {  	_ =	swait.ge [sflag:s29], $0x2800  }
0xb7: {  	[sflag:s29] =	ssyncset.done $0x0  }
0xb8: {  	s19 =	rddreg [dreg:$0x6];
	[sflag:s29] =	ssyncadd.s32 $0xFFFFD800  }
0xb9: {  	[hbm4b:s19+s3] =	stream.linear.scatter [tilespmem:s28], [sflag:$0x5], $0x2800, $0x38;
	[tilespmem:$0x18980] =	vst v63  }
0xba: {  	_ =	swait.ge [sflag:s29], $0x2800  }
0xbb: {  	[sflag:s29] =	ssyncset.done $0x0  }
0xbc: {  	[sflag:s29] =	ssyncadd.s32 $0xFFFFD800  }
0xbd: {  	[tilespmem:s28], [sflag:$0x5] =	stream.linear.gather [spmem:s8], $0x2800, $0x38;
	[tilespmem:$0x18980] =	vst v63  }
0xbe: {  	_ =	swait.ge [sflag:s29], $0x2800  }
0xbf: {  	[sflag:s29] =	ssyncset.done $0x0  }
0xc0: {  	s20 =	rddreg [dreg:$0x7];
	[sflag:s29] =	ssyncadd.s32 $0xFFFFD800  }
0xc1: {  	[hbm4b:s20+s3] =	stream.linear.scatter [tilespmem:s28], [sflag:$0x5], $0x2800, $0x38;
	[tilespmem:$0x18980] =	vst v63  }
0xc2: {  	_ =	swait.ge [sflag:s29], $0x2800  }
0xc3: {  	[sflag:s29] =	ssyncset.done $0x0  }
0xc4: {  	[sflag:s29] =	ssyncadd.s32 $0xFFFFD800  }
0xc5: {  	[tilespmem:s28], [sflag:$0x5] =	stream.linear.gather [spmem:s9], $0x2800, $0x38;
	[tilespmem:$0x18980] =	vst v63  }
0xc6: {  	_ =	swait.ge [sflag:s29], $0x2800  }
0xc7: {  	[sflag:s29] =	ssyncset.done $0x0  }
0xc8: {  	s18 =	rddreg [dreg:$0x8];
	[sflag:s29] =	ssyncadd.s32 $0xFFFFD800  }
0xc9: {  	[hbm4b:s18+s3] =	stream.linear.scatter [tilespmem:s28], [sflag:$0x5], $0x2800, $0x38;
	[tilespmem:$0x18980] =	vst v63  }
0xca: {  	_ =	swait.ge [sflag:s29], $0x2800  }
0xcb: {  	[sflag:s29] =	ssyncset.done $0x0  }
0xcc: {  	[sflag:s29] =	ssyncadd.s32 $0xFFFFD800  }
0xcd: {  	[tilespmem:s28], [sflag:$0x5] =	stream.linear.gather [spmem:s10], $0x2800, $0x38;
	[tilespmem:$0x18980] =	vst v63  }
0xce: {  	_ =	swait.ge [sflag:s29], $0x2800  }
0xcf: {  	[sflag:s29] =	ssyncset.done $0x0  }
0xd0: {  	s19 =	rddreg [dreg:$0x9];
	[sflag:s29] =	ssyncadd.s32 $0xFFFFD800  }
0xd1: {  	[hbm4b:s19+s3] =	stream.linear.scatter [tilespmem:s28], [sflag:$0x5], $0x2800, $0x38;
	[tilespmem:$0x18980] =	vst v63  }
0xd2: {  	_ =	swait.ge [sflag:s29], $0x2800  }
0xd3: {  	[sflag:s29] =	ssyncset.done $0x0  }
0xd4: {  	[sflag:s29] =	ssyncadd.s32 $0xFFFFD800  }
0xd5: {  	[tilespmem:s28], [sflag:$0x5] =	stream.linear.gather [spmem:s11], $0x2800, $0x38;
	[tilespmem:$0x18980] =	vst v63  }
0xd6: {  	_ =	swait.ge [sflag:s29], $0x2800  }
0xd7: {  	[sflag:s29] =	ssyncset.done $0x0  }
0xd8: {  	s20 =	rddreg [dreg:$0xa];
	[sflag:s29] =	ssyncadd.s32 $0xFFFFD800  }
0xd9: {  	[hbm4b:s20+s3] =	stream.linear.scatter [tilespmem:s28], [sflag:$0x5], $0x2800, $0x38;
	[tilespmem:$0x18980] =	vst v63  }
0xda: {  	_ =	swait.ge [sflag:s29], $0x2800  }
0xdb: {  	[sflag:s29] =	ssyncset.done $0x0  }
0xdc: {  	s17 =	simm.s32 @!p0 $0x2900;
	s18 =	simm.s32 @!p0 $0x5;
	[sflag:s29] =	ssyncadd.s32 $0xFFFFD800  }
0xdd: {  	[tilespmem:s17], [sflag:$0x5] =	stream.linear.gather @!p0 [spmem:s12], $0x2800, $0x38;
	[tilespmem:$0x18980] =	vst v63  }
0xde: {  	s13 =	sadd.s32 $0x1, s13;
	_ =	swait.ge @!p0 [sflag:s18], $0x2800  }
0xdf: {  	p1 =	sne.s32 s13, s23;
	s19 =	simm.s32 @!p0 $0x0;
	[sflag:s18] =	ssyncset.done @!p0 $0x0  }
.Ltmp3:
0xe0: {  	s20 =	rddreg [dreg:$0xb];
	[sflag:s18] =	ssyncadd.s32 @!p0 $0xFFFFD800;
	(pc) =	sbr.rel @p1 .LBB2_1-.Ltmp3, $4  }
0xe1: {  	[hbm4b:s20+s19] =	stream.linear.scatter @!p0 [tilespmem:s17], [sflag:$0x5], $0x2800, $0x38;
	[tilespmem:$0x18980] =	vst v63  }
0xe2: {  	_ =	swait.ge @!p0 [sflag:s18], $0x2800  }
0xe3: {  	[sflag:s18] =	ssyncset.done @!p0 $0x0  }
0xe4: {  	[sflag:s18] =	ssyncadd.s32 @!p0 $0xFFFFD800  }
0xe5: {  	_ =	sfence.sel $0x180000  }
0xe6: {  	[bflag:$0x0] =	sbarrier.arrive $0xFFFF  }
0xe7: {  	_ =	strace $0x90000047  }
0xe8: {  	s0 =	stileid.u32;
	[bflag:$0x2] =	sbarrier.arrive $0xFFFF  }
0xe9: {  	p0 =	sne.s32 s0, $0x0;
	s0 =	rddreg [dreg:$0x3]  }
0xea: {  	s0 =	sadd.s32 @!p0 $0x100000, s0  }
0xeb: {  	[sflag:s0] =	ssyncadd.tile.s32 @!p0 $0x1;
	_ =	shalt  }
.Lfunc_end2:
_tile_overlayer_lowered:
.L_overlay_start_2:
0xec: {  	(tag) =	ssettag $0x2  }
0xed: {  	s0 =	rddreg [dreg:$0x0];
	s2 =	stileid.u32  }
0xee: {  	s1 =	rddreg [dreg:$0x1];
	p0 =	sne.s32 s2, $0x0  }
0xef: {  	s3 =	rddreg [dreg:$0x2];
	[bflag:$0x3] =	sbarrier.arrive $0xFFFF;
	s2 =	simm.s32 @!p0 $0x1C05  }
0xf0: {  	[timem:s3], [sflag:s2] =	dma.local @!p0 [hbm:s0], s1  }
0xf1: {  	s0 =	simm.s32 @!p0 $0x5  }
0xf2: {  	_ =	swait.ge @!p0 [sflag:s0], s1  }
0xf3: {  	s1 =	ssub.s32 @!p0 $0x0, s1;
	[sflag:s0] =	ssyncset.done @!p0 $0x0  }
0xf4: {  	[sflag:s0] =	ssyncadd.s32 @!p0 s1  }
0xf5: {  	[bflag:$0x3] =	sbarrier.arrive $0xFFFF  }
0xf6: {  	_ =	shalt  }

</sc_bundles>
